<compile_context>
chip_gen: v7x
topology: tpu7x:2x2x1
jax: 0.10.2.dev20260603
libtpu: 0.0.44.dev20260713+nightly
codegen_flags: <defaults>
</compile_context>

<pallas_src>
import dataclasses
import functools

import jax
import jax.numpy as jnp
from jax import lax
from jax.experimental import pallas as pl
from jax.experimental.pallas import tpu as pltpu
from jax.experimental.pallas import tpu_sc as plsc

_N = 10000
_NP = 10240
_E = 320000
_EP = 323584
_D = 128
_NG = 64
_EPS = 1e-5
_NCORE = 2
_NSUB = 16
_RPT = _NP // _NSUB
_EBLK = 128
_ET = _EP // (_NCORE * _NSUB)
_NBLK = _ET // _EBLK
_BM = 256
_GRID = _NP // _BM
_PREC = jax.lax.Precision.HIGHEST
_CP = dataclasses.replace(pltpu.CompilerParams(), needs_layout_passes=False)


def _sc_degree(dstp):
    mesh = plsc.VectorSubcoreMesh(core_axis_name="c", subcore_axis_name="s")

    @functools.partial(
        pl.kernel,
        mesh=mesh,
        out_type=jax.ShapeDtypeStruct((_NCORE, _NP), jnp.float32),
        scratch_types=[
            pltpu.VMEM((_ET,), jnp.int32),
            pltpu.VMEM((_NP,), jnp.float32),
            pltpu.VMEM((_NSUB, _RPT), jnp.float32),
            pltpu.VMEM_SHARED((_NSUB, _NP), jnp.float32),
        ],
        compiler_params=_CP,
    )
    def deg_kernel(dst_hbm, out_hbm, ebuf, hist, rbuf, slots):
        c = lax.axis_index("c")
        s = lax.axis_index("s")

        @pl.loop(0, _NP // 16)
        def _(j):
            hist[pl.ds(j * 16, 16)] = jnp.zeros((16,), jnp.float32)

        pltpu.sync_copy(dst_hbm.at[pl.ds(c * (_EP // 2) + s * _ET, _ET)], ebuf)
        ones = jnp.ones((16,), jnp.float32)

        @pl.loop(0, _ET // 16)
        def _(j):
            plsc.addupdate_scatter(hist, [ebuf[pl.ds(j * 16, 16)]], ones)

        pltpu.sync_copy(hist, slots.at[s])
        plsc.subcore_barrier()
        row0 = s * _RPT
        pltpu.sync_copy(slots.at[:, pl.ds(row0, _RPT)], rbuf)

        @pl.loop(0, _RPT // 16)
        def _(j):
            tot = rbuf[0, pl.ds(j * 16, 16)]
            for k in range(1, _NSUB):
                tot = tot + rbuf[k, pl.ds(j * 16, 16)]
            hist[pl.ds(j * 16, 16)] = tot

        pltpu.sync_copy(hist.at[pl.ds(0, _RPT)], out_hbm.at[c, pl.ds(row0, _RPT)])

    return deg_kernel(dstp)


def _sc_aggregate(h, srcp, dstp, zerosD):
    mesh = plsc.VectorSubcoreMesh(core_axis_name="c", subcore_axis_name="s")

    @functools.partial(
        pl.kernel,
        mesh=mesh,
        out_type=jax.ShapeDtypeStruct((_NCORE, _NP, _D), jnp.float32),
        scratch_types=[
            pltpu.VMEM((_EBLK,), jnp.int32),
            pltpu.VMEM((_EBLK,), jnp.int32),
            pltpu.VMEM((_EBLK, _D), jnp.float32),
            pltpu.VMEM_SHARED((_NP, _D), jnp.float32),
        ],
    )
    def agg_kernel(h_hbm, src_hbm, dst_hbm, z_hbm, out_hbm, sidx, didx, rows, acc):
        c = lax.axis_index("c")
        s = lax.axis_index("s")
        row0 = s * _RPT
        pltpu.sync_copy(z_hbm.at[pl.ds(row0, _RPT)], acc.at[pl.ds(row0, _RPT)])
        plsc.subcore_barrier()
        ebase = c * (_EP // 2) + s * _ET

        @pl.loop(0, _NBLK)
        def _(i):
            e0 = ebase + i * _EBLK
            pltpu.sync_copy(src_hbm.at[pl.ds(e0, _EBLK)], sidx)
            pltpu.sync_copy(dst_hbm.at[pl.ds(e0, _EBLK)], didx)
            pltpu.sync_copy(h_hbm.at[sidx], rows)
            pltpu.sync_copy(rows, acc.at[didx], add=True)

        plsc.subcore_barrier()
        pltpu.sync_copy(acc.at[pl.ds(row0, _RPT)],
                        out_hbm.at[c, pl.ds(row0, _RPT)])

    return agg_kernel(h, srcp, dstp, zerosD)


def _dinv_of(dg_ref):
    d = dg_ref[0] + dg_ref[1] + 1.0
    return lax.rsqrt(d)


_DEG_SPEC = pl.BlockSpec((_NCORE, _BM, 1), lambda i: (0, i, 0))


def _tc_prep1(x_pad, W1, degp):
    def body(x_ref, w_ref, dg_ref, o_ref):
        h = jnp.dot(x_ref[...], w_ref[...],
                    preferred_element_type=jnp.float32)
        o_ref[...] = h * _dinv_of(dg_ref)

    return pl.pallas_call(
        body,
        grid=(_GRID,),
        in_specs=[
            pl.BlockSpec((_BM, _D), lambda i: (i, 0)),
            pl.BlockSpec((_D, _D), lambda i: (0, 0)),
            _DEG_SPEC,
        ],
        out_specs=pl.BlockSpec((_BM, _D), lambda i: (i, 0)),
        out_shape=jax.ShapeDtypeStruct((_NP, _D), jnp.float32),
    )(x_pad, W1, degp)


def _tc_stats(acc, hp, degp, bias):
    def body(a_ref, h_ref, dg_ref, b_ref, z_ref, st_ref):
        i = pl.program_id(0)
        zz = (a_ref[0] + a_ref[1] + h_ref[...]) * _dinv_of(dg_ref) + b_ref[...]
        z_ref[...] = zz
        rid = lax.broadcasted_iota(jnp.int32, (_BM, 1), 0) + i * _BM
        zm = zz * (rid < _N).astype(jnp.float32)

        @pl.when(i == 0)
        def _():
            st_ref[...] = jnp.zeros_like(st_ref)

        st_ref[...] += jnp.concatenate(
            [jnp.sum(zm, axis=0, keepdims=True),
             jnp.sum(zz * zm, axis=0, keepdims=True)], axis=0)

    return pl.pallas_call(
        body,
        grid=(_GRID,),
        in_specs=[
            pl.BlockSpec((_NCORE, _BM, _D), lambda i: (0, i, 0)),
            pl.BlockSpec((_BM, _D), lambda i: (i, 0)),
            _DEG_SPEC,
            pl.BlockSpec((1, _D), lambda i: (0, 0)),
        ],
        out_specs=[pl.BlockSpec((_BM, _D), lambda i: (i, 0)),
                   pl.BlockSpec((2, _D), lambda i: (0, 0))],
        out_shape=[jax.ShapeDtypeStruct((_NP, _D), jnp.float32),
                   jax.ShapeDtypeStruct((2, _D), jnp.float32)],
    )(acc, hp, degp, bias)


def _bn_relu(z, st_ref, g_ref, be_ref):
    mu = st_ref[0:1] / _N
    var = st_ref[1:2] / _N - mu * mu
    inv = lax.rsqrt(var + _EPS)
    return jnp.maximum((z - mu) * inv * g_ref[...] + be_ref[...], 0.0)


def _tc_norm_mm(z, st, gamma, beta, W2, degp):
    def body(z_ref, st_ref, g_ref, be_ref, w_ref, dg_ref, o_ref):
        y = _bn_relu(z_ref[...], st_ref, g_ref, be_ref)
        h = jnp.dot(y, w_ref[...],
                    preferred_element_type=jnp.float32)
        o_ref[...] = h * _dinv_of(dg_ref)

    return pl.pallas_call(
        body,
        grid=(_GRID,),
        in_specs=[
            pl.BlockSpec((_BM, _D), lambda i: (i, 0)),
            pl.BlockSpec((2, _D), lambda i: (0, 0)),
            pl.BlockSpec((1, _D), lambda i: (0, 0)),
            pl.BlockSpec((1, _D), lambda i: (0, 0)),
            pl.BlockSpec((_D, _D), lambda i: (0, 0)),
            _DEG_SPEC,
        ],
        out_specs=pl.BlockSpec((_BM, _D), lambda i: (i, 0)),
        out_shape=jax.ShapeDtypeStruct((_NP, _D), jnp.float32),
    )(z, st, gamma, beta, W2, degp)


def _tc_pool(z, st, gamma, beta, batchcol):
    def body(z_ref, st_ref, g_ref, be_ref, b_ref, ps_ref, cm_ref):
        i = pl.program_id(0)
        y = _bn_relu(z_ref[...], st_ref, g_ref, be_ref)
        gids = lax.broadcasted_iota(jnp.int32, (_BM, _NG), 1).astype(jnp.float32)
        oh = (b_ref[...] == gids).astype(jnp.float32)
        ps_blk = lax.dot_general(oh, y, (((0,), (0,)), ((), ())),
                                 precision=_PREC,
                                 preferred_element_type=jnp.float32)
        cm_blk = lax.dot_general(oh, jnp.ones((_BM, _D), jnp.float32),
                                 (((0,), (0,)), ((), ())),
                                 precision=_PREC,
                                 preferred_element_type=jnp.float32)

        @pl.when(i == 0)
        def _():
            ps_ref[...] = jnp.zeros_like(ps_ref)
            cm_ref[...] = jnp.zeros_like(cm_ref)

        ps_ref[...] += ps_blk
        cm_ref[...] += cm_blk

    return pl.pallas_call(
        body,
        grid=(_GRID,),
        in_specs=[
            pl.BlockSpec((_BM, _D), lambda i: (i, 0)),
            pl.BlockSpec((2, _D), lambda i: (0, 0)),
            pl.BlockSpec((1, _D), lambda i: (0, 0)),
            pl.BlockSpec((1, _D), lambda i: (0, 0)),
            pl.BlockSpec((_BM, 1), lambda i: (i, 0)),
        ],
        out_specs=[pl.BlockSpec((_NG, _D), lambda i: (0, 0)),
                   pl.BlockSpec((_NG, _D), lambda i: (0, 0))],
        out_shape=[jax.ShapeDtypeStruct((_NG, _D), jnp.float32),
                   jax.ShapeDtypeStruct((_NG, _D), jnp.float32)],
    )(z, st, gamma, beta, batchcol)


def _tc_head(ps, cm, Wf, bfb, gfb, befb, wlT, blb):
    def body(ps_ref, cm_ref, wf_ref, bf_ref, gf_ref, bef_ref, wl_ref, bl_ref,
             o_ref):
        pooled = ps_ref[...] / jnp.maximum(cm_ref[...], 1.0)
        t = jnp.dot(pooled, wf_ref[...],
                    preferred_element_type=jnp.float32)
        t = t + bf_ref[...]
        mu = jnp.mean(t, axis=0, keepdims=True)
        var = jnp.mean(t * t, axis=0, keepdims=True) - mu * mu
        f = jnp.maximum((t - mu) * lax.rsqrt(var + _EPS) * gf_ref[...]
                        + bef_ref[...], 0.0)
        o = jnp.sum(f * wl_ref[...], axis=1, keepdims=True) + bl_ref[...]
        o_ref[...] = jnp.maximum(o, 0.0)

    return pl.pallas_call(
        body,
        out_shape=jax.ShapeDtypeStruct((_NG, 1), jnp.float32),
    )(ps, cm, Wf, bfb, gfb, befb, wlT, blb)


def kernel(x, edge_index, batch, W1, b1, g1, be1, W2, b2, g2, be2,
           Wf, bf, gf, bef, Wl, bl):
    f32 = jnp.float32
    x_pad = jnp.pad(x, ((0, _NP - _N), (0, 0)))
    ei = edge_index.astype(jnp.int32)
    srcp = jnp.pad(ei[0], (0, _EP - _E), constant_values=_N)
    dstp = jnp.pad(ei[1], (0, _EP - _E), constant_values=_N)
    batchcol = jnp.pad(batch.astype(jnp.int32), (0, _NP - _N),
                       constant_values=_NG).astype(f32).reshape(_NP, 1)
    zerosD = jnp.zeros((_NP, _D), f32)

    degp = _sc_degree(dstp).reshape(_NCORE, _NP, 1)
    h1p = _tc_prep1(x_pad, W1, degp)
    acc1 = _sc_aggregate(h1p, srcp, dstp, zerosD)
    z1, st1 = _tc_stats(acc1, h1p, degp, b1.reshape(1, _D))
    h2p = _tc_norm_mm(z1, st1, g1.reshape(1, _D), be1.reshape(1, _D), W2, degp)
    acc2 = _sc_aggregate(h2p, srcp, dstp, zerosD)
    z2, st2 = _tc_stats(acc2, h2p, degp, b2.reshape(1, _D))
    ps, cm = _tc_pool(z2, st2, g2.reshape(1, _D), be2.reshape(1, _D), batchcol)
    return _tc_head(ps, cm, Wf, bf.reshape(1, _D), gf.reshape(1, _D),
                    bef.reshape(1, _D), Wl.reshape(1, _D), bl.reshape(1, 1))

# --- scband reference (transcript-rebuilt; emitter-appended) ---
"""Pipeline reference for scband-gcn-exp-84035330113950 (READ-ONLY COPY).

The authoritative reference and input builder live on the scoring server;
editing this copy changes nothing except your own understanding.
"""

import jax, jax.numpy as jnp
import numpy as np

N = 10000
E = 320000
D = 128
H = 128
FH = 128
NG = 64
EPS = 1e-5


def gcn_conv(x, edge_index, W, b):
    n = x.shape[0]
    self_loops = jnp.arange(n, dtype=edge_index.dtype)
    src = jnp.concatenate([edge_index[0], self_loops])
    dst = jnp.concatenate([edge_index[1], self_loops])
    deg = jax.ops.segment_sum(jnp.ones(src.shape, dtype=x.dtype), dst, num_segments=n)
    dinv = jnp.where(deg > 0, deg ** -0.5, 0.0)
    norm = dinv[src] * dinv[dst]
    h = x @ W
    msg = h[src] * norm[:, None]
    return jax.ops.segment_sum(msg, dst, num_segments=n) + b


def batch_norm(x, gamma, beta):
    mu = jnp.mean(x, axis=0)
    var = jnp.var(x, axis=0)
    return (x - mu) / jnp.sqrt(var + EPS) * gamma + beta


def setup_inputs(seed: int = 0):
    key = jax.random.key(seed)
    ks = jax.random.split(key, 10)
    x = jax.random.normal(ks[0], (N, D), dtype=jnp.float32)
    edge_index = jax.random.randint(ks[1], (2, E), 0, N)
    batch = jnp.sort(jax.random.randint(ks[2], (N,), 0, NG))
    W1 = jax.random.normal(ks[3], (D, H), dtype=jnp.float32) / np.sqrt(D)
    b1 = jnp.zeros((H,), dtype=jnp.float32)
    g1 = jnp.ones((H,), dtype=jnp.float32)
    be1 = jnp.zeros((H,), dtype=jnp.float32)
    W2 = jax.random.normal(ks[4], (H, H), dtype=jnp.float32) / np.sqrt(H)
    b2 = jnp.zeros((H,), dtype=jnp.float32)
    g2 = jnp.ones((H,), dtype=jnp.float32)
    be2 = jnp.zeros((H,), dtype=jnp.float32)
    Wf = jax.random.normal(ks[5], (H, FH), dtype=jnp.float32) / np.sqrt(H)
    bf = jnp.zeros((FH,), dtype=jnp.float32)
    gf = jnp.ones((FH,), dtype=jnp.float32)
    bef = jnp.zeros((FH,), dtype=jnp.float32)
    Wl = jax.random.normal(ks[6], (FH, 1), dtype=jnp.float32) / np.sqrt(FH)
    bl = jnp.zeros((1,), dtype=jnp.float32)
    return {"x": x, "edge_index": edge_index, "batch": batch,
            "W1": W1, "b1": b1, "g1": g1, "be1": be1,
            "W2": W2, "b2": b2, "g2": g2, "be2": be2,
            "Wf": Wf, "bf": bf, "gf": gf, "bef": bef,
            "Wl": Wl, "bl": bl}


def reference(x, edge_index, batch, W1, b1, g1, be1, W2, b2, g2, be2, Wf, bf, gf, bef, Wl, bl):
    h = jax.nn.relu(batch_norm(gcn_conv(x, edge_index, W1, b1), g1, be1))
    # dropout p=0.0 -> identity
    h = jax.nn.relu(batch_norm(gcn_conv(h, edge_index, W2, b2), g2, be2))
    counts = jax.ops.segment_sum(jnp.ones((h.shape[0],), dtype=h.dtype), batch, num_segments=NG)
    pooled = jax.ops.segment_sum(h, batch, num_segments=NG) / jnp.maximum(counts, 1.0)[:, None]
    f = jax.nn.relu(batch_norm(pooled @ Wf + bf, gf, bef))
    out = jax.nn.relu(f @ Wl + bl)
    return out

if __name__ == "__main__":
    import jax
    _d = setup_inputs()
    print(jax.jit(kernel)(*tuple(_d.values())))

</pallas_src>

<mosaic_0001>
#map = affine_map<(d0, d1) -> (0)>
#map1 = affine_map<(d0, d1) -> (0, 0)>
module attributes {stable_mosaic.version = 14 : i64} {
  func.func @deg_kernel(%arg0: i32, %arg1: i32, %arg2: memref<323584xi32, #tpu.memory_space<hbm>>, %arg3: memref<2x10240xf32, #tpu.memory_space<hbm>>, %arg4: memref<10112xi32, #tpu.memory_space<vmem>>, %arg5: memref<10240xf32, #tpu.memory_space<vmem>>, %arg6: memref<16x640xf32, #tpu.memory_space<vmem>>, %arg7: memref<16x10240xf32, #tpu.memory_space<vmem_shared>>) attributes {dimension_semantics = [#tpu.dimension_semantics<core_parallel>, #tpu.dimension_semantics<subcore_parallel>], iteration_bounds = array<i64: 2, 16>, scalar_prefetch = 0 : i64, scratch_operands = 4 : i64, tpu.core_type = #tpu.core_type<sc_vector_subcore>, window_params = [{transform_indices = #map}, {transform_indices = #map1}]} {
    %scan3A = arith.constant 0 : i32
    %scan3A_0 = arith.constant 640 : i32
    %scan3A_1 = arith.addi %scan3A, %scan3A_0 : i32
    %scan3A_2 = arith.constant 1 : i32
    scf.for %scan3A_20 = %scan3A to %scan3A_1 step %scan3A_2  : i32 {
      %mul3A_21 = arith.constant 1 : i32
      %mul3A_22 = arith.muli %scan3A_20, %mul3A_21 : i32
      %add3A_23 = arith.constant 0 : i32
      %add3A_24 = arith.addi %add3A_23, %mul3A_22 : i32
      %broadcast_in_dim3A_25 = arith.constant 0.000000e+00 : f32
      %broadcast_in_dim3A_26 = vector.broadcast %broadcast_in_dim3A_25 : f32 to vector<16xf32>
      %mul3A_27 = arith.constant 16 : i32
      %mul3A_28 = arith.muli %add3A_24, %mul3A_27 : i32
      %swap3A = arith.index_cast %mul3A_28 : i32 to index
      %swap3A_29 = tpu.vector_load %arg5[%swap3A] {strides = array<i32>} : memref<10240xf32, #tpu.memory_space<vmem>>, vector<16xf32>,
      tpu.vector_store %arg5[%swap3A], %broadcast_in_dim3A_26 {strides = array<i32>} : memref<10240xf32, #tpu.memory_space<vmem>>, vector<16xf32>,
    }
    %scan3A_3 = arith.constant 640 : i32
    %mul3A = arith.constant 161792 : i32
    %mul3A_4 = arith.muli %arg0, %mul3A : i32
    %mul3A_5 = arith.constant 10112 : i32
    %mul3A_6 = arith.muli %arg1, %mul3A_5 : i32
    %add3A = arith.addi %mul3A_4, %mul3A_6 : i32
    "tpu.region"() ({
      %run_scoped3A = tpu.sem_alloc : memref<!tpu.dma_semaphore, #tpu.memory_space<semaphore_mem>>
      %dma_start3A = tpu.memref_slice %arg2[%add3A] : memref<323584xi32, #tpu.memory_space<hbm>> -> memref<10112xi32, #tpu.memory_space<hbm>>
      %dma_start3A_20 = tpu.memref_slice %arg2[%add3A] : memref<323584xi32, #tpu.memory_space<hbm>> -> memref<10112xi32, #tpu.memory_space<hbm>>
      tpu.enqueue_dma source(%dma_start3A_20 : memref<10112xi32, #tpu.memory_space<hbm>>) target(%arg4 : memref<10112xi32, #tpu.memory_space<vmem>>) target_semaphore(%run_scoped3A : memref<!tpu.dma_semaphore, #tpu.memory_space<semaphore_mem>>)
      %dma_wait3A = tpu.memref_slice %arg2[%add3A] : memref<323584xi32, #tpu.memory_space<hbm>> -> memref<10112xi32, #tpu.memory_space<hbm>>
      %dma_wait3A_21 = tpu.memref_slice %arg2[%add3A] : memref<323584xi32, #tpu.memory_space<hbm>> -> memref<10112xi32, #tpu.memory_space<hbm>>
      tpu.wait_dma2 semaphore(%run_scoped3A : memref<!tpu.dma_semaphore, #tpu.memory_space<semaphore_mem>>) src(%dma_wait3A_21 : memref<10112xi32, #tpu.memory_space<hbm>>) dst(%arg4 : memref<10112xi32, #tpu.memory_space<vmem>>)
      tpu.yield
    }) : () -> ()
    %broadcast_in_dim3A = arith.constant 1.000000e+00 : f32
    %broadcast_in_dim3A_7 = vector.broadcast %broadcast_in_dim3A : f32 to vector<16xf32>
    %scan3A_8 = arith.constant 0 : i32
    %scan3A_9 = arith.constant 632 : i32
    %scan3A_10 = arith.addi %scan3A_8, %scan3A_9 : i32
    %scan3A_11 = arith.constant 1 : i32
    scf.for %scan3A_20 = %scan3A_8 to %scan3A_10 step %scan3A_11  : i32 {
      %mul3A_21 = arith.constant 1 : i32
      %mul3A_22 = arith.muli %scan3A_20, %mul3A_21 : i32
      %add3A_23 = arith.constant 0 : i32
      %add3A_24 = arith.addi %add3A_23, %mul3A_22 : i32
      %mul3A_25 = arith.constant 16 : i32
      %mul3A_26 = arith.muli %add3A_24, %mul3A_25 : i32
      %get3A = arith.index_cast %mul3A_26 : i32 to index
      %get3A_27 = tpu.vector_load %arg4[%get3A] {strides = array<i32>} : memref<10112xi32, #tpu.memory_space<vmem>>, vector<16xi32>,
      tpu.vector_store_idx %arg5[%get3A_27], %broadcast_in_dim3A_7 {add = true} : memref<10240xf32, #tpu.memory_space<vmem>>[vector<16xi32>], vector<16xf32>,
    }
    %scan3A_12 = arith.constant 632 : i32
    "tpu.region"() ({
      %run_scoped3A = tpu.sem_alloc : memref<!tpu.dma_semaphore, #tpu.memory_space<semaphore_mem>>
      %dma_start3A = arith.constant 0 : i32
      %dma_start3A_20 = tpu.memref_slice %arg7[%arg1, %dma_start3A] : memref<16x10240xf32, #tpu.memory_space<vmem_shared>> -> memref<1x10240xf32, #tpu.memory_space<vmem_shared>>
      %dma_start3A_21 = tpu.memref_squeeze %dma_start3A_20 : memref<1x10240xf32, #tpu.memory_space<vmem_shared>> -> memref<10240xf32, #tpu.memory_space<vmem_shared>>
      %dma_start3A_22 = arith.constant 0 : i32
      %dma_start3A_23 = tpu.memref_slice %arg7[%arg1, %dma_start3A_22] : memref<16x10240xf32, #tpu.memory_space<vmem_shared>> -> memref<1x10240xf32, #tpu.memory_space<vmem_shared>>
      %dma_start3A_24 = tpu.memref_squeeze %dma_start3A_23 : memref<1x10240xf32, #tpu.memory_space<vmem_shared>> -> memref<10240xf32, #tpu.memory_space<vmem_shared>>
      tpu.enqueue_dma source(%arg5 : memref<10240xf32, #tpu.memory_space<vmem>>) target(%dma_start3A_24 : memref<10240xf32, #tpu.memory_space<vmem_shared>>) target_semaphore(%run_scoped3A : memref<!tpu.dma_semaphore, #tpu.memory_space<semaphore_mem>>)
      %dma_wait3A = arith.constant 0 : i32
      %dma_wait3A_25 = tpu.memref_slice %arg7[%arg1, %dma_wait3A] : memref<16x10240xf32, #tpu.memory_space<vmem_shared>> -> memref<1x10240xf32, #tpu.memory_space<vmem_shared>>
      %dma_wait3A_26 = tpu.memref_squeeze %dma_wait3A_25 : memref<1x10240xf32, #tpu.memory_space<vmem_shared>> -> memref<10240xf32, #tpu.memory_space<vmem_shared>>
      %dma_wait3A_27 = arith.constant 0 : i32
      %dma_wait3A_28 = tpu.memref_slice %arg7[%arg1, %dma_wait3A_27] : memref<16x10240xf32, #tpu.memory_space<vmem_shared>> -> memref<1x10240xf32, #tpu.memory_space<vmem_shared>>
      %dma_wait3A_29 = tpu.memref_squeeze %dma_wait3A_28 : memref<1x10240xf32, #tpu.memory_space<vmem_shared>> -> memref<10240xf32, #tpu.memory_space<vmem_shared>>
      tpu.wait_dma2 semaphore(%run_scoped3A : memref<!tpu.dma_semaphore, #tpu.memory_space<semaphore_mem>>) src(%arg5 : memref<10240xf32, #tpu.memory_space<vmem>>) dst(%dma_wait3A_29 : memref<10240xf32, #tpu.memory_space<vmem_shared>>)
      tpu.yield
    }) : () -> ()
    %barrier3A = arith.constant 0 : index
    tpu.barrier barrier_id(%barrier3A)
    %mul3A_13 = arith.constant 640 : i32
    %mul3A_14 = arith.muli %arg1, %mul3A_13 : i32
    "tpu.region"() ({
      %run_scoped3A = tpu.sem_alloc : memref<!tpu.dma_semaphore, #tpu.memory_space<semaphore_mem>>
      %dma_start3A = arith.constant 0 : i32
      %dma_start3A_20 = tpu.memref_slice %arg7[%dma_start3A, %mul3A_14] : memref<16x10240xf32, #tpu.memory_space<vmem_shared>> -> memref<16x640xf32, #tpu.memory_space<vmem_shared>>
      %dma_start3A_21 = arith.constant 0 : i32
      %dma_start3A_22 = tpu.memref_slice %arg7[%dma_start3A_21, %mul3A_14] : memref<16x10240xf32, #tpu.memory_space<vmem_shared>> -> memref<16x640xf32, #tpu.memory_space<vmem_shared>>
      tpu.enqueue_dma source(%dma_start3A_22 : memref<16x640xf32, #tpu.memory_space<vmem_shared>>) target(%arg6 : memref<16x640xf32, #tpu.memory_space<vmem>>) target_semaphore(%run_scoped3A : memref<!tpu.dma_semaphore, #tpu.memory_space<semaphore_mem>>)
      %dma_wait3A = arith.constant 0 : i32
      %dma_wait3A_23 = tpu.memref_slice %arg7[%dma_wait3A, %mul3A_14] : memref<16x10240xf32, #tpu.memory_space<vmem_shared>> -> memref<16x640xf32, #tpu.memory_space<vmem_shared>>
      %dma_wait3A_24 = arith.constant 0 : i32
      %dma_wait3A_25 = tpu.memref_slice %arg7[%dma_wait3A_24, %mul3A_14] : memref<16x10240xf32, #tpu.memory_space<vmem_shared>> -> memref<16x640xf32, #tpu.memory_space<vmem_shared>>
      tpu.wait_dma2 semaphore(%run_scoped3A : memref<!tpu.dma_semaphore, #tpu.memory_space<semaphore_mem>>) src(%dma_wait3A_25 : memref<16x640xf32, #tpu.memory_space<vmem_shared>>) dst(%arg6 : memref<16x640xf32, #tpu.memory_space<vmem>>)
      tpu.yield
    }) : () -> ()
    %scan3A_15 = arith.constant 0 : i32
    %scan3A_16 = arith.constant 40 : i32
    %scan3A_17 = arith.addi %scan3A_15, %scan3A_16 : i32
    %scan3A_18 = arith.constant 1 : i32
    scf.for %scan3A_20 = %scan3A_15 to %scan3A_17 step %scan3A_18  : i32 {
      %mul3A_21 = arith.constant 1 : i32
      %mul3A_22 = arith.muli %scan3A_20, %mul3A_21 : i32
      %add3A_23 = arith.constant 0 : i32
      %add3A_24 = arith.addi %add3A_23, %mul3A_22 : i32
      %mul3A_25 = arith.constant 16 : i32
      %mul3A_26 = arith.muli %add3A_24, %mul3A_25 : i32
      %get3A = arith.constant 0 : i32
      %get3A_27 = arith.index_cast %get3A : i32 to index
      %get3A_28 = arith.index_cast %mul3A_26 : i32 to index
      %get3A_29 = tpu.vector_load %arg6[%get3A_27, %get3A_28] {strides = array<i32>} : memref<16x640xf32, #tpu.memory_space<vmem>>, vector<16xf32>,
      %mul3A_30 = arith.constant 16 : i32
      %mul3A_31 = arith.muli %add3A_24, %mul3A_30 : i32
      %get3A_32 = arith.constant 1 : i32
      %get3A_33 = arith.index_cast %get3A_32 : i32 to index
      %get3A_34 = arith.index_cast %mul3A_31 : i32 to index
      %get3A_35 = tpu.vector_load %arg6[%get3A_33, %get3A_34] {strides = array<i32>} : memref<16x640xf32, #tpu.memory_space<vmem>>, vector<16xf32>,
      %add3A_36 = arith.addf %get3A_29, %get3A_35 : vector<16xf32>
      %mul3A_37 = arith.constant 16 : i32
      %mul3A_38 = arith.muli %add3A_24, %mul3A_37 : i32
      %get3A_39 = arith.constant 2 : i32
      %get3A_40 = arith.index_cast %get3A_39 : i32 to index
      %get3A_41 = arith.index_cast %mul3A_38 : i32 to index
      %get3A_42 = tpu.vector_load %arg6[%get3A_40, %get3A_41] {strides = array<i32>} : memref<16x640xf32, #tpu.memory_space<vmem>>, vector<16xf32>,
      %add3A_43 = arith.addf %add3A_36, %get3A_42 : vector<16xf32>
      %mul3A_44 = arith.constant 16 : i32
      %mul3A_45 = arith.muli %add3A_24, %mul3A_44 : i32
      %get3A_46 = arith.constant 3 : i32
      %get3A_47 = arith.index_cast %get3A_46 : i32 to index
      %get3A_48 = arith.index_cast %mul3A_45 : i32 to index
      %get3A_49 = tpu.vector_load %arg6[%get3A_47, %get3A_48] {strides = array<i32>} : memref<16x640xf32, #tpu.memory_space<vmem>>, vector<16xf32>,
      %add3A_50 = arith.addf %add3A_43, %get3A_49 : vector<16xf32>
      %mul3A_51 = arith.constant 16 : i32
      %mul3A_52 = arith.muli %add3A_24, %mul3A_51 : i32
      %get3A_53 = arith.constant 4 : i32
      %get3A_54 = arith.index_cast %get3A_53 : i32 to index
      %get3A_55 = arith.index_cast %mul3A_52 : i32 to index
      %get3A_56 = tpu.vector_load %arg6[%get3A_54, %get3A_55] {strides = array<i32>} : memref<16x640xf32, #tpu.memory_space<vmem>>, vector<16xf32>,
      %add3A_57 = arith.addf %add3A_50, %get3A_56 : vector<16xf32>
      %mul3A_58 = arith.constant 16 : i32
      %mul3A_59 = arith.muli %add3A_24, %mul3A_58 : i32
      %get3A_60 = arith.constant 5 : i32
      %get3A_61 = arith.index_cast %get3A_60 : i32 to index
      %get3A_62 = arith.index_cast %mul3A_59 : i32 to index
      %get3A_63 = tpu.vector_load %arg6[%get3A_61, %get3A_62] {strides = array<i32>} : memref<16x640xf32, #tpu.memory_space<vmem>>, vector<16xf32>,
      %add3A_64 = arith.addf %add3A_57, %get3A_63 : vector<16xf32>
      %mul3A_65 = arith.constant 16 : i32
      %mul3A_66 = arith.muli %add3A_24, %mul3A_65 : i32
      %get3A_67 = arith.constant 6 : i32
      %get3A_68 = arith.index_cast %get3A_67 : i32 to index
      %get3A_69 = arith.index_cast %mul3A_66 : i32 to index
      %get3A_70 = tpu.vector_load %arg6[%get3A_68, %get3A_69] {strides = array<i32>} : memref<16x640xf32, #tpu.memory_space<vmem>>, vector<16xf32>,
      %add3A_71 = arith.addf %add3A_64, %get3A_70 : vector<16xf32>
      %mul3A_72 = arith.constant 16 : i32
      %mul3A_73 = arith.muli %add3A_24, %mul3A_72 : i32
      %get3A_74 = arith.constant 7 : i32
      %get3A_75 = arith.index_cast %get3A_74 : i32 to index
      %get3A_76 = arith.index_cast %mul3A_73 : i32 to index
      %get3A_77 = tpu.vector_load %arg6[%get3A_75, %get3A_76] {strides = array<i32>} : memref<16x640xf32, #tpu.memory_space<vmem>>, vector<16xf32>,
      %add3A_78 = arith.addf %add3A_71, %get3A_77 : vector<16xf32>
      %mul3A_79 = arith.constant 16 : i32
      %mul3A_80 = arith.muli %add3A_24, %mul3A_79 : i32
      %get3A_81 = arith.constant 8 : i32
      %get3A_82 = arith.index_cast %get3A_81 : i32 to index
      %get3A_83 = arith.index_cast %mul3A_80 : i32 to index
      %get3A_84 = tpu.vector_load %arg6[%get3A_82, %get3A_83] {strides = array<i32>} : memref<16x640xf32, #tpu.memory_space<vmem>>, vector<16xf32>,
      %add3A_85 = arith.addf %add3A_78, %get3A_84 : vector<16xf32>
      %mul3A_86 = arith.constant 16 : i32
      %mul3A_87 = arith.muli %add3A_24, %mul3A_86 : i32
      %get3A_88 = arith.constant 9 : i32
      %get3A_89 = arith.index_cast %get3A_88 : i32 to index
      %get3A_90 = arith.index_cast %mul3A_87 : i32 to index
      %get3A_91 = tpu.vector_load %arg6[%get3A_89, %get3A_90] {strides = array<i32>} : memref<16x640xf32, #tpu.memory_space<vmem>>, vector<16xf32>,
      %add3A_92 = arith.addf %add3A_85, %get3A_91 : vector<16xf32>
      %mul3A_93 = arith.constant 16 : i32
      %mul3A_94 = arith.muli %add3A_24, %mul3A_93 : i32
      %get3A_95 = arith.constant 10 : i32
      %get3A_96 = arith.index_cast %get3A_95 : i32 to index
      %get3A_97 = arith.index_cast %mul3A_94 : i32 to index
      %get3A_98 = tpu.vector_load %arg6[%get3A_96, %get3A_97] {strides = array<i32>} : memref<16x640xf32, #tpu.memory_space<vmem>>, vector<16xf32>,
      %add3A_99 = arith.addf %add3A_92, %get3A_98 : vector<16xf32>
      %mul3A_100 = arith.constant 16 : i32
      %mul3A_101 = arith.muli %add3A_24, %mul3A_100 : i32
      %get3A_102 = arith.constant 11 : i32
      %get3A_103 = arith.index_cast %get3A_102 : i32 to index
      %get3A_104 = arith.index_cast %mul3A_101 : i32 to index
      %get3A_105 = tpu.vector_load %arg6[%get3A_103, %get3A_104] {strides = array<i32>} : memref<16x640xf32, #tpu.memory_space<vmem>>, vector<16xf32>,
      %add3A_106 = arith.addf %add3A_99, %get3A_105 : vector<16xf32>
      %mul3A_107 = arith.constant 16 : i32
      %mul3A_108 = arith.muli %add3A_24, %mul3A_107 : i32
      %get3A_109 = arith.constant 12 : i32
      %get3A_110 = arith.index_cast %get3A_109 : i32 to index
      %get3A_111 = arith.index_cast %mul3A_108 : i32 to index
      %get3A_112 = tpu.vector_load %arg6[%get3A_110, %get3A_111] {strides = array<i32>} : memref<16x640xf32, #tpu.memory_space<vmem>>, vector<16xf32>,
      %add3A_113 = arith.addf %add3A_106, %get3A_112 : vector<16xf32>
      %mul3A_114 = arith.constant 16 : i32
      %mul3A_115 = arith.muli %add3A_24, %mul3A_114 : i32
      %get3A_116 = arith.constant 13 : i32
      %get3A_117 = arith.index_cast %get3A_116 : i32 to index
      %get3A_118 = arith.index_cast %mul3A_115 : i32 to index
      %get3A_119 = tpu.vector_load %arg6[%get3A_117, %get3A_118] {strides = array<i32>} : memref<16x640xf32, #tpu.memory_space<vmem>>, vector<16xf32>,
      %add3A_120 = arith.addf %add3A_113, %get3A_119 : vector<16xf32>
      %mul3A_121 = arith.constant 16 : i32
      %mul3A_122 = arith.muli %add3A_24, %mul3A_121 : i32
      %get3A_123 = arith.constant 14 : i32
      %get3A_124 = arith.index_cast %get3A_123 : i32 to index
      %get3A_125 = arith.index_cast %mul3A_122 : i32 to index
      %get3A_126 = tpu.vector_load %arg6[%get3A_124, %get3A_125] {strides = array<i32>} : memref<16x640xf32, #tpu.memory_space<vmem>>, vector<16xf32>,
      %add3A_127 = arith.addf %add3A_120, %get3A_126 : vector<16xf32>
      %mul3A_128 = arith.constant 16 : i32
      %mul3A_129 = arith.muli %add3A_24, %mul3A_128 : i32
      %get3A_130 = arith.constant 15 : i32
      %get3A_131 = arith.index_cast %get3A_130 : i32 to index
      %get3A_132 = arith.index_cast %mul3A_129 : i32 to index
      %get3A_133 = tpu.vector_load %arg6[%get3A_131, %get3A_132] {strides = array<i32>} : memref<16x640xf32, #tpu.memory_space<vmem>>, vector<16xf32>,
      %add3A_134 = arith.addf %add3A_127, %get3A_133 : vector<16xf32>
      %mul3A_135 = arith.constant 16 : i32
      %mul3A_136 = arith.muli %add3A_24, %mul3A_135 : i32
      %swap3A = arith.index_cast %mul3A_136 : i32 to index
      %swap3A_137 = tpu.vector_load %arg5[%swap3A] {strides = array<i32>} : memref<10240xf32, #tpu.memory_space<vmem>>, vector<16xf32>,
      tpu.vector_store %arg5[%swap3A], %add3A_134 {strides = array<i32>} : memref<10240xf32, #tpu.memory_space<vmem>>, vector<16xf32>,
    }
    %scan3A_19 = arith.constant 40 : i32
    "tpu.region"() ({
      %run_scoped3A = tpu.sem_alloc : memref<!tpu.dma_semaphore, #tpu.memory_space<semaphore_mem>>
      %dma_start3A = arith.constant 0 : i32
      %dma_start3A_20 = tpu.memref_slice %arg5[%dma_start3A] : memref<10240xf32, #tpu.memory_space<vmem>> -> memref<640xf32, #tpu.memory_space<vmem>>
      %dma_start3A_21 = tpu.memref_slice %arg3[%arg0, %mul3A_14] : memref<2x10240xf32, #tpu.memory_space<hbm>> -> memref<1x640xf32, #tpu.memory_space<hbm>>
      %dma_start3A_22 = tpu.memref_squeeze %dma_start3A_21 : memref<1x640xf32, #tpu.memory_space<hbm>> -> memref<640xf32, #tpu.memory_space<hbm>>
      %dma_start3A_23 = tpu.memref_slice %arg3[%arg0, %mul3A_14] : memref<2x10240xf32, #tpu.memory_space<hbm>> -> memref<1x640xf32, #tpu.memory_space<hbm>>
      %dma_start3A_24 = tpu.memref_squeeze %dma_start3A_23 : memref<1x640xf32, #tpu.memory_space<hbm>> -> memref<640xf32, #tpu.memory_space<hbm>>
      %dma_start3A_25 = arith.constant 0 : i32
      %dma_start3A_26 = tpu.memref_slice %arg5[%dma_start3A_25] : memref<10240xf32, #tpu.memory_space<vmem>> -> memref<640xf32, #tpu.memory_space<vmem>>
      tpu.enqueue_dma source(%dma_start3A_26 : memref<640xf32, #tpu.memory_space<vmem>>) target(%dma_start3A_24 : memref<640xf32, #tpu.memory_space<hbm>>) target_semaphore(%run_scoped3A : memref<!tpu.dma_semaphore, #tpu.memory_space<semaphore_mem>>)
      %dma_wait3A = arith.constant 0 : i32
      %dma_wait3A_27 = tpu.memref_slice %arg5[%dma_wait3A] : memref<10240xf32, #tpu.memory_space<vmem>> -> memref<640xf32, #tpu.memory_space<vmem>>
      %dma_wait3A_28 = tpu.memref_slice %arg3[%arg0, %mul3A_14] : memref<2x10240xf32, #tpu.memory_space<hbm>> -> memref<1x640xf32, #tpu.memory_space<hbm>>
      %dma_wait3A_29 = tpu.memref_squeeze %dma_wait3A_28 : memref<1x640xf32, #tpu.memory_space<hbm>> -> memref<640xf32, #tpu.memory_space<hbm>>
      %dma_wait3A_30 = tpu.memref_slice %arg3[%arg0, %mul3A_14] : memref<2x10240xf32, #tpu.memory_space<hbm>> -> memref<1x640xf32, #tpu.memory_space<hbm>>
      %dma_wait3A_31 = tpu.memref_squeeze %dma_wait3A_30 : memref<1x640xf32, #tpu.memory_space<hbm>> -> memref<640xf32, #tpu.memory_space<hbm>>
      %dma_wait3A_32 = arith.constant 0 : i32
      %dma_wait3A_33 = tpu.memref_slice %arg5[%dma_wait3A_32] : memref<10240xf32, #tpu.memory_space<vmem>> -> memref<640xf32, #tpu.memory_space<vmem>>
      tpu.wait_dma2 semaphore(%run_scoped3A : memref<!tpu.dma_semaphore, #tpu.memory_space<semaphore_mem>>) src(%dma_wait3A_33 : memref<640xf32, #tpu.memory_space<vmem>>) dst(%dma_wait3A_31 : memref<640xf32, #tpu.memory_space<hbm>>)
      tpu.yield
    }) : () -> ()
    return
  }
}

#map = affine_map<(d0, d1) -> (0, 0)>
#map1 = affine_map<(d0, d1) -> (0)>
#map2 = affine_map<(d0, d1) -> (0, 0, 0)>
module attributes {stable_mosaic.version = 14 : i64} {
  func.func @agg_kernel(%arg0: i32, %arg1: i32, %arg2: memref<10240x128xf32, #tpu.memory_space<hbm>>, %arg3: memref<323584xi32, #tpu.memory_space<hbm>>, %arg4: memref<323584xi32, #tpu.memory_space<hbm>>, %arg5: memref<10240x128xf32, #tpu.memory_space<hbm>>, %arg6: memref<2x10240x128xf32, #tpu.memory_space<hbm>>, %arg7: memref<128xi32, #tpu.memory_space<vmem>>, %arg8: memref<128xi32, #tpu.memory_space<vmem>>, %arg9: memref<128x128xf32, #tpu.memory_space<vmem>>, %arg10: memref<10240x128xf32, #tpu.memory_space<vmem_shared>>) attributes {dimension_semantics = [#tpu.dimension_semantics<core_parallel>, #tpu.dimension_semantics<subcore_parallel>], iteration_bounds = array<i64: 2, 16>, scalar_prefetch = 0 : i64, scratch_operands = 4 : i64, tpu.core_type = #tpu.core_type<sc_vector_subcore>, window_params = [{transform_indices = #map}, {transform_indices = #map1}, {transform_indices = #map1}, {transform_indices = #map}, {transform_indices = #map2}]} {
    %mul3A = arith.constant 640 : i32
    %mul3A_0 = arith.muli %arg1, %mul3A : i32
    "tpu.region"() ({
      %run_scoped3A = tpu.sem_alloc : memref<!tpu.dma_semaphore, #tpu.memory_space<semaphore_mem>>
      %dma_start3A = arith.constant 0 : i32
      %dma_start3A_10 = tpu.memref_slice %arg10[%mul3A_0, %dma_start3A] : memref<10240x128xf32, #tpu.memory_space<vmem_shared>> -> memref<640x128xf32, #tpu.memory_space<vmem_shared>>
      %dma_start3A_11 = arith.constant 0 : i32
      %dma_start3A_12 = tpu.memref_slice %arg5[%mul3A_0, %dma_start3A_11] : memref<10240x128xf32, #tpu.memory_space<hbm>> -> memref<640x128xf32, #tpu.memory_space<hbm>>
      tpu.enqueue_dma source(%dma_start3A_12 : memref<640x128xf32, #tpu.memory_space<hbm>>) target(%dma_start3A_10 : memref<640x128xf32, #tpu.memory_space<vmem_shared>>) target_semaphore(%run_scoped3A : memref<!tpu.dma_semaphore, #tpu.memory_space<semaphore_mem>>)
      %dma_wait3A = arith.constant 0 : i32
      %dma_wait3A_13 = tpu.memref_slice %arg10[%mul3A_0, %dma_wait3A] : memref<10240x128xf32, #tpu.memory_space<vmem_shared>> -> memref<640x128xf32, #tpu.memory_space<vmem_shared>>
      %dma_wait3A_14 = arith.constant 0 : i32
      %dma_wait3A_15 = tpu.memref_slice %arg5[%mul3A_0, %dma_wait3A_14] : memref<10240x128xf32, #tpu.memory_space<hbm>> -> memref<640x128xf32, #tpu.memory_space<hbm>>
      tpu.wait_dma2 semaphore(%run_scoped3A : memref<!tpu.dma_semaphore, #tpu.memory_space<semaphore_mem>>) src(%dma_wait3A_15 : memref<640x128xf32, #tpu.memory_space<hbm>>) dst(%dma_wait3A_13 : memref<640x128xf32, #tpu.memory_space<vmem_shared>>)
      tpu.yield
    }) : () -> ()
    %barrier3A = arith.constant 0 : index
    tpu.barrier barrier_id(%barrier3A)
    %mul3A_1 = arith.constant 161792 : i32
    %mul3A_2 = arith.muli %arg0, %mul3A_1 : i32
    %mul3A_3 = arith.constant 10112 : i32
    %mul3A_4 = arith.muli %arg1, %mul3A_3 : i32
    %add3A = arith.addi %mul3A_2, %mul3A_4 : i32
    %scan3A = arith.constant 0 : i32
    %scan3A_5 = arith.constant 79 : i32
    %scan3A_6 = arith.addi %scan3A, %scan3A_5 : i32
    %scan3A_7 = arith.constant 1 : i32
    scf.for %scan3A_10 = %scan3A to %scan3A_6 step %scan3A_7  : i32 {
      %mul3A_11 = arith.constant 1 : i32
      %mul3A_12 = arith.muli %scan3A_10, %mul3A_11 : i32
      %add3A_13 = arith.constant 0 : i32
      %add3A_14 = arith.addi %add3A_13, %mul3A_12 : i32
      %mul3A_15 = arith.constant 128 : i32
      %mul3A_16 = arith.muli %add3A_14, %mul3A_15 : i32
      %add3A_17 = arith.addi %add3A, %mul3A_16 : i32
      "tpu.region"() ({
        %run_scoped3A = tpu.sem_alloc : memref<!tpu.dma_semaphore, #tpu.memory_space<semaphore_mem>>
        %dma_start3A = tpu.memref_slice %arg3[%add3A_17] : memref<323584xi32, #tpu.memory_space<hbm>> -> memref<128xi32, #tpu.memory_space<hbm>>
        %dma_start3A_18 = tpu.memref_slice %arg3[%add3A_17] : memref<323584xi32, #tpu.memory_space<hbm>> -> memref<128xi32, #tpu.memory_space<hbm>>
        tpu.enqueue_dma source(%dma_start3A_18 : memref<128xi32, #tpu.memory_space<hbm>>) target(%arg7 : memref<128xi32, #tpu.memory_space<vmem>>) target_semaphore(%run_scoped3A : memref<!tpu.dma_semaphore, #tpu.memory_space<semaphore_mem>>)
        %dma_wait3A = tpu.memref_slice %arg3[%add3A_17] : memref<323584xi32, #tpu.memory_space<hbm>> -> memref<128xi32, #tpu.memory_space<hbm>>
        %dma_wait3A_19 = tpu.memref_slice %arg3[%add3A_17] : memref<323584xi32, #tpu.memory_space<hbm>> -> memref<128xi32, #tpu.memory_space<hbm>>
        tpu.wait_dma2 semaphore(%run_scoped3A : memref<!tpu.dma_semaphore, #tpu.memory_space<semaphore_mem>>) src(%dma_wait3A_19 : memref<128xi32, #tpu.memory_space<hbm>>) dst(%arg7 : memref<128xi32, #tpu.memory_space<vmem>>)
        tpu.yield
      }) : () -> ()
      "tpu.region"() ({
        %run_scoped3A = tpu.sem_alloc : memref<!tpu.dma_semaphore, #tpu.memory_space<semaphore_mem>>
        %dma_start3A = tpu.memref_slice %arg4[%add3A_17] : memref<323584xi32, #tpu.memory_space<hbm>> -> memref<128xi32, #tpu.memory_space<hbm>>
        %dma_start3A_18 = tpu.memref_slice %arg4[%add3A_17] : memref<323584xi32, #tpu.memory_space<hbm>> -> memref<128xi32, #tpu.memory_space<hbm>>
        tpu.enqueue_dma source(%dma_start3A_18 : memref<128xi32, #tpu.memory_space<hbm>>) target(%arg8 : memref<128xi32, #tpu.memory_space<vmem>>) target_semaphore(%run_scoped3A : memref<!tpu.dma_semaphore, #tpu.memory_space<semaphore_mem>>)
        %dma_wait3A = tpu.memref_slice %arg4[%add3A_17] : memref<323584xi32, #tpu.memory_space<hbm>> -> memref<128xi32, #tpu.memory_space<hbm>>
        %dma_wait3A_19 = tpu.memref_slice %arg4[%add3A_17] : memref<323584xi32, #tpu.memory_space<hbm>> -> memref<128xi32, #tpu.memory_space<hbm>>
        tpu.wait_dma2 semaphore(%run_scoped3A : memref<!tpu.dma_semaphore, #tpu.memory_space<semaphore_mem>>) src(%dma_wait3A_19 : memref<128xi32, #tpu.memory_space<hbm>>) dst(%arg8 : memref<128xi32, #tpu.memory_space<vmem>>)
        tpu.yield
      }) : () -> ()
      "tpu.region"() ({
        %run_scoped3A = tpu.sem_alloc : memref<!tpu.dma_semaphore, #tpu.memory_space<semaphore_mem>>
        %dma_start3A = arith.constant 0 : i32
        %dma_start3A_18 = arith.constant 0 : i32
        %dma_start3A_19 = tpu.memref_slice %arg2[%dma_start3A, %dma_start3A_18] : memref<10240x128xf32, #tpu.memory_space<hbm>> -> memref<10240x128xf32, #tpu.memory_space<hbm>>
        tpu.enqueue_indirect_dma source(%dma_start3A_19 : memref<10240x128xf32, #tpu.memory_space<hbm>>) target(%arg9 : memref<128x128xf32, #tpu.memory_space<vmem>>) offsets(%arg7 : memref<128xi32, #tpu.memory_space<vmem>>) semaphore(%run_scoped3A : memref<!tpu.dma_semaphore, #tpu.memory_space<semaphore_mem>>)
        %dma_wait3A = arith.constant 0 : i32
        %dma_wait3A_20 = arith.constant 0 : i32
        %dma_wait3A_21 = tpu.memref_slice %arg2[%dma_wait3A, %dma_wait3A_20] : memref<10240x128xf32, #tpu.memory_space<hbm>> -> memref<10240x128xf32, #tpu.memory_space<hbm>>
        tpu.wait_indirect_dma semaphore(%run_scoped3A : memref<!tpu.dma_semaphore, #tpu.memory_space<semaphore_mem>>) src(%dma_wait3A_21 : memref<10240x128xf32, #tpu.memory_space<hbm>>) dst(%arg9 : memref<128x128xf32, #tpu.memory_space<vmem>>)
        tpu.yield
      }) : () -> ()
      "tpu.region"() ({
        %run_scoped3A = tpu.sem_alloc : memref<!tpu.dma_semaphore, #tpu.memory_space<semaphore_mem>>
        %dma_start3A = arith.constant 0 : i32
        %dma_start3A_18 = arith.constant 0 : i32
        %dma_start3A_19 = tpu.memref_slice %arg10[%dma_start3A, %dma_start3A_18] : memref<10240x128xf32, #tpu.memory_space<vmem_shared>> -> memref<10240x128xf32, #tpu.memory_space<vmem_shared>>
        tpu.enqueue_indirect_dma source(%arg9 : memref<128x128xf32, #tpu.memory_space<vmem>>) target(%dma_start3A_19 : memref<10240x128xf32, #tpu.memory_space<vmem_shared>>) offsets(%arg8 : memref<128xi32, #tpu.memory_space<vmem>>) semaphore(%run_scoped3A : memref<!tpu.dma_semaphore, #tpu.memory_space<semaphore_mem>>) {add = true}
        %dma_wait3A = arith.constant 0 : i32
        %dma_wait3A_20 = arith.constant 0 : i32
        %dma_wait3A_21 = tpu.memref_slice %arg10[%dma_wait3A, %dma_wait3A_20] : memref<10240x128xf32, #tpu.memory_space<vmem_shared>> -> memref<10240x128xf32, #tpu.memory_space<vmem_shared>>
        tpu.wait_indirect_dma semaphore(%run_scoped3A : memref<!tpu.dma_semaphore, #tpu.memory_space<semaphore_mem>>) src(%arg9 : memref<128x128xf32, #tpu.memory_space<vmem>>) dst(%dma_wait3A_21 : memref<10240x128xf32, #tpu.memory_space<vmem_shared>>)
        tpu.yield
      }) : () -> ()
    }
    %scan3A_8 = arith.constant 79 : i32
    %barrier3A_9 = arith.constant 0 : index
    tpu.barrier barrier_id(%barrier3A_9)
    "tpu.region"() ({
      %run_scoped3A = tpu.sem_alloc : memref<!tpu.dma_semaphore, #tpu.memory_space<semaphore_mem>>
      %dma_start3A = arith.constant 0 : i32
      %dma_start3A_10 = tpu.memref_slice %arg6[%arg0, %mul3A_0, %dma_start3A] : memref<2x10240x128xf32, #tpu.memory_space<hbm>> -> memref<1x640x128xf32, #tpu.memory_space<hbm>>
      %dma_start3A_11 = tpu.memref_squeeze %dma_start3A_10 : memref<1x640x128xf32, #tpu.memory_space<hbm>> -> memref<640x128xf32, #tpu.memory_space<hbm>>
      %dma_start3A_12 = arith.constant 0 : i32
      %dma_start3A_13 = tpu.memref_slice %arg10[%mul3A_0, %dma_start3A_12] : memref<10240x128xf32, #tpu.memory_space<vmem_shared>> -> memref<640x128xf32, #tpu.memory_space<vmem_shared>>
      tpu.enqueue_dma source(%dma_start3A_13 : memref<640x128xf32, #tpu.memory_space<vmem_shared>>) target(%dma_start3A_11 : memref<640x128xf32, #tpu.memory_space<hbm>>) target_semaphore(%run_scoped3A : memref<!tpu.dma_semaphore, #tpu.memory_space<semaphore_mem>>)
      %dma_wait3A = arith.constant 0 : i32
      %dma_wait3A_14 = tpu.memref_slice %arg6[%arg0, %mul3A_0, %dma_wait3A] : memref<2x10240x128xf32, #tpu.memory_space<hbm>> -> memref<1x640x128xf32, #tpu.memory_space<hbm>>
      %dma_wait3A_15 = tpu.memref_squeeze %dma_wait3A_14 : memref<1x640x128xf32, #tpu.memory_space<hbm>> -> memref<640x128xf32, #tpu.memory_space<hbm>>
      %dma_wait3A_16 = arith.constant 0 : i32
      %dma_wait3A_17 = tpu.memref_slice %arg10[%mul3A_0, %dma_wait3A_16] : memref<10240x128xf32, #tpu.memory_space<vmem_shared>> -> memref<640x128xf32, #tpu.memory_space<vmem_shared>>
      tpu.wait_dma2 semaphore(%run_scoped3A : memref<!tpu.dma_semaphore, #tpu.memory_space<semaphore_mem>>) src(%dma_wait3A_17 : memref<640x128xf32, #tpu.memory_space<vmem_shared>>) dst(%dma_wait3A_15 : memref<640x128xf32, #tpu.memory_space<hbm>>)
      tpu.yield
    }) : () -> ()
    return
  }
}

#map = affine_map<(d0, d1) -> (0, 0)>
#map1 = affine_map<(d0, d1) -> (0)>
#map2 = affine_map<(d0, d1) -> (0, 0, 0)>
module attributes {stable_mosaic.version = 14 : i64} {
  func.func @agg_kernel(%arg0: i32, %arg1: i32, %arg2: memref<10240x128xf32, #tpu.memory_space<hbm>>, %arg3: memref<323584xi32, #tpu.memory_space<hbm>>, %arg4: memref<323584xi32, #tpu.memory_space<hbm>>, %arg5: memref<10240x128xf32, #tpu.memory_space<hbm>>, %arg6: memref<2x10240x128xf32, #tpu.memory_space<hbm>>, %arg7: memref<128xi32, #tpu.memory_space<vmem>>, %arg8: memref<128xi32, #tpu.memory_space<vmem>>, %arg9: memref<128x128xf32, #tpu.memory_space<vmem>>, %arg10: memref<10240x128xf32, #tpu.memory_space<vmem_shared>>) attributes {dimension_semantics = [#tpu.dimension_semantics<core_parallel>, #tpu.dimension_semantics<subcore_parallel>], iteration_bounds = array<i64: 2, 16>, scalar_prefetch = 0 : i64, scratch_operands = 4 : i64, tpu.core_type = #tpu.core_type<sc_vector_subcore>, window_params = [{transform_indices = #map}, {transform_indices = #map1}, {transform_indices = #map1}, {transform_indices = #map}, {transform_indices = #map2}]} {
    %mul3A = arith.constant 640 : i32
    %mul3A_0 = arith.muli %arg1, %mul3A : i32
    "tpu.region"() ({
      %run_scoped3A = tpu.sem_alloc : memref<!tpu.dma_semaphore, #tpu.memory_space<semaphore_mem>>
      %dma_start3A = arith.constant 0 : i32
      %dma_start3A_10 = tpu.memref_slice %arg10[%mul3A_0, %dma_start3A] : memref<10240x128xf32, #tpu.memory_space<vmem_shared>> -> memref<640x128xf32, #tpu.memory_space<vmem_shared>>
      %dma_start3A_11 = arith.constant 0 : i32
      %dma_start3A_12 = tpu.memref_slice %arg5[%mul3A_0, %dma_start3A_11] : memref<10240x128xf32, #tpu.memory_space<hbm>> -> memref<640x128xf32, #tpu.memory_space<hbm>>
      tpu.enqueue_dma source(%dma_start3A_12 : memref<640x128xf32, #tpu.memory_space<hbm>>) target(%dma_start3A_10 : memref<640x128xf32, #tpu.memory_space<vmem_shared>>) target_semaphore(%run_scoped3A : memref<!tpu.dma_semaphore, #tpu.memory_space<semaphore_mem>>)
      %dma_wait3A = arith.constant 0 : i32
      %dma_wait3A_13 = tpu.memref_slice %arg10[%mul3A_0, %dma_wait3A] : memref<10240x128xf32, #tpu.memory_space<vmem_shared>> -> memref<640x128xf32, #tpu.memory_space<vmem_shared>>
      %dma_wait3A_14 = arith.constant 0 : i32
      %dma_wait3A_15 = tpu.memref_slice %arg5[%mul3A_0, %dma_wait3A_14] : memref<10240x128xf32, #tpu.memory_space<hbm>> -> memref<640x128xf32, #tpu.memory_space<hbm>>
      tpu.wait_dma2 semaphore(%run_scoped3A : memref<!tpu.dma_semaphore, #tpu.memory_space<semaphore_mem>>) src(%dma_wait3A_15 : memref<640x128xf32, #tpu.memory_space<hbm>>) dst(%dma_wait3A_13 : memref<640x128xf32, #tpu.memory_space<vmem_shared>>)
      tpu.yield
    }) : () -> ()
    %barrier3A = arith.constant 0 : index
    tpu.barrier barrier_id(%barrier3A)
    %mul3A_1 = arith.constant 161792 : i32
    %mul3A_2 = arith.muli %arg0, %mul3A_1 : i32
    %mul3A_3 = arith.constant 10112 : i32
    %mul3A_4 = arith.muli %arg1, %mul3A_3 : i32
    %add3A = arith.addi %mul3A_2, %mul3A_4 : i32
    %scan3A = arith.constant 0 : i32
    %scan3A_5 = arith.constant 79 : i32
    %scan3A_6 = arith.addi %scan3A, %scan3A_5 : i32
    %scan3A_7 = arith.constant 1 : i32
    scf.for %scan3A_10 = %scan3A to %scan3A_6 step %scan3A_7  : i32 {
      %mul3A_11 = arith.constant 1 : i32
      %mul3A_12 = arith.muli %scan3A_10, %mul3A_11 : i32
      %add3A_13 = arith.constant 0 : i32
      %add3A_14 = arith.addi %add3A_13, %mul3A_12 : i32
      %mul3A_15 = arith.constant 128 : i32
      %mul3A_16 = arith.muli %add3A_14, %mul3A_15 : i32
      %add3A_17 = arith.addi %add3A, %mul3A_16 : i32
      "tpu.region"() ({
        %run_scoped3A = tpu.sem_alloc : memref<!tpu.dma_semaphore, #tpu.memory_space<semaphore_mem>>
        %dma_start3A = tpu.memref_slice %arg3[%add3A_17] : memref<323584xi32, #tpu.memory_space<hbm>> -> memref<128xi32, #tpu.memory_space<hbm>>
        %dma_start3A_18 = tpu.memref_slice %arg3[%add3A_17] : memref<323584xi32, #tpu.memory_space<hbm>> -> memref<128xi32, #tpu.memory_space<hbm>>
        tpu.enqueue_dma source(%dma_start3A_18 : memref<128xi32, #tpu.memory_space<hbm>>) target(%arg7 : memref<128xi32, #tpu.memory_space<vmem>>) target_semaphore(%run_scoped3A : memref<!tpu.dma_semaphore, #tpu.memory_space<semaphore_mem>>)
        %dma_wait3A = tpu.memref_slice %arg3[%add3A_17] : memref<323584xi32, #tpu.memory_space<hbm>> -> memref<128xi32, #tpu.memory_space<hbm>>
        %dma_wait3A_19 = tpu.memref_slice %arg3[%add3A_17] : memref<323584xi32, #tpu.memory_space<hbm>> -> memref<128xi32, #tpu.memory_space<hbm>>
        tpu.wait_dma2 semaphore(%run_scoped3A : memref<!tpu.dma_semaphore, #tpu.memory_space<semaphore_mem>>) src(%dma_wait3A_19 : memref<128xi32, #tpu.memory_space<hbm>>) dst(%arg7 : memref<128xi32, #tpu.memory_space<vmem>>)
        tpu.yield
      }) : () -> ()
      "tpu.region"() ({
        %run_scoped3A = tpu.sem_alloc : memref<!tpu.dma_semaphore, #tpu.memory_space<semaphore_mem>>
        %dma_start3A = tpu.memref_slice %arg4[%add3A_17] : memref<323584xi32, #tpu.memory_space<hbm>> -> memref<128xi32, #tpu.memory_space<hbm>>
        %dma_start3A_18 = tpu.memref_slice %arg4[%add3A_17] : memref<323584xi32, #tpu.memory_space<hbm>> -> memref<128xi32, #tpu.memory_space<hbm>>
        tpu.enqueue_dma source(%dma_start3A_18 : memref<128xi32, #tpu.memory_space<hbm>>) target(%arg8 : memref<128xi32, #tpu.memory_space<vmem>>) target_semaphore(%run_scoped3A : memref<!tpu.dma_semaphore, #tpu.memory_space<semaphore_mem>>)
        %dma_wait3A = tpu.memref_slice %arg4[%add3A_17] : memref<323584xi32, #tpu.memory_space<hbm>> -> memref<128xi32, #tpu.memory_space<hbm>>
        %dma_wait3A_19 = tpu.memref_slice %arg4[%add3A_17] : memref<323584xi32, #tpu.memory_space<hbm>> -> memref<128xi32, #tpu.memory_space<hbm>>
        tpu.wait_dma2 semaphore(%run_scoped3A : memref<!tpu.dma_semaphore, #tpu.memory_space<semaphore_mem>>) src(%dma_wait3A_19 : memref<128xi32, #tpu.memory_space<hbm>>) dst(%arg8 : memref<128xi32, #tpu.memory_space<vmem>>)
        tpu.yield
      }) : () -> ()
      "tpu.region"() ({
        %run_scoped3A = tpu.sem_alloc : memref<!tpu.dma_semaphore, #tpu.memory_space<semaphore_mem>>
        %dma_start3A = arith.constant 0 : i32
        %dma_start3A_18 = arith.constant 0 : i32
        %dma_start3A_19 = tpu.memref_slice %arg2[%dma_start3A, %dma_start3A_18] : memref<10240x128xf32, #tpu.memory_space<hbm>> -> memref<10240x128xf32, #tpu.memory_space<hbm>>
        tpu.enqueue_indirect_dma source(%dma_start3A_19 : memref<10240x128xf32, #tpu.memory_space<hbm>>) target(%arg9 : memref<128x128xf32, #tpu.memory_space<vmem>>) offsets(%arg7 : memref<128xi32, #tpu.memory_space<vmem>>) semaphore(%run_scoped3A : memref<!tpu.dma_semaphore, #tpu.memory_space<semaphore_mem>>)
        %dma_wait3A = arith.constant 0 : i32
        %dma_wait3A_20 = arith.constant 0 : i32
        %dma_wait3A_21 = tpu.memref_slice %arg2[%dma_wait3A, %dma_wait3A_20] : memref<10240x128xf32, #tpu.memory_space<hbm>> -> memref<10240x128xf32, #tpu.memory_space<hbm>>
        tpu.wait_indirect_dma semaphore(%run_scoped3A : memref<!tpu.dma_semaphore, #tpu.memory_space<semaphore_mem>>) src(%dma_wait3A_21 : memref<10240x128xf32, #tpu.memory_space<hbm>>) dst(%arg9 : memref<128x128xf32, #tpu.memory_space<vmem>>)
        tpu.yield
      }) : () -> ()
      "tpu.region"() ({
        %run_scoped3A = tpu.sem_alloc : memref<!tpu.dma_semaphore, #tpu.memory_space<semaphore_mem>>
        %dma_start3A = arith.constant 0 : i32
        %dma_start3A_18 = arith.constant 0 : i32
        %dma_start3A_19 = tpu.memref_slice %arg10[%dma_start3A, %dma_start3A_18] : memref<10240x128xf32, #tpu.memory_space<vmem_shared>> -> memref<10240x128xf32, #tpu.memory_space<vmem_shared>>
        tpu.enqueue_indirect_dma source(%arg9 : memref<128x128xf32, #tpu.memory_space<vmem>>) target(%dma_start3A_19 : memref<10240x128xf32, #tpu.memory_space<vmem_shared>>) offsets(%arg8 : memref<128xi32, #tpu.memory_space<vmem>>) semaphore(%run_scoped3A : memref<!tpu.dma_semaphore, #tpu.memory_space<semaphore_mem>>) {add = true}
        %dma_wait3A = arith.constant 0 : i32
        %dma_wait3A_20 = arith.constant 0 : i32
        %dma_wait3A_21 = tpu.memref_slice %arg10[%dma_wait3A, %dma_wait3A_20] : memref<10240x128xf32, #tpu.memory_space<vmem_shared>> -> memref<10240x128xf32, #tpu.memory_space<vmem_shared>>
        tpu.wait_indirect_dma semaphore(%run_scoped3A : memref<!tpu.dma_semaphore, #tpu.memory_space<semaphore_mem>>) src(%arg9 : memref<128x128xf32, #tpu.memory_space<vmem>>) dst(%dma_wait3A_21 : memref<10240x128xf32, #tpu.memory_space<vmem_shared>>)
        tpu.yield
      }) : () -> ()
    }
    %scan3A_8 = arith.constant 79 : i32
    %barrier3A_9 = arith.constant 0 : index
    tpu.barrier barrier_id(%barrier3A_9)
    "tpu.region"() ({
      %run_scoped3A = tpu.sem_alloc : memref<!tpu.dma_semaphore, #tpu.memory_space<semaphore_mem>>
      %dma_start3A = arith.constant 0 : i32
      %dma_start3A_10 = tpu.memref_slice %arg6[%arg0, %mul3A_0, %dma_start3A] : memref<2x10240x128xf32, #tpu.memory_space<hbm>> -> memref<1x640x128xf32, #tpu.memory_space<hbm>>
      %dma_start3A_11 = tpu.memref_squeeze %dma_start3A_10 : memref<1x640x128xf32, #tpu.memory_space<hbm>> -> memref<640x128xf32, #tpu.memory_space<hbm>>
      %dma_start3A_12 = arith.constant 0 : i32
      %dma_start3A_13 = tpu.memref_slice %arg10[%mul3A_0, %dma_start3A_12] : memref<10240x128xf32, #tpu.memory_space<vmem_shared>> -> memref<640x128xf32, #tpu.memory_space<vmem_shared>>
      tpu.enqueue_dma source(%dma_start3A_13 : memref<640x128xf32, #tpu.memory_space<vmem_shared>>) target(%dma_start3A_11 : memref<640x128xf32, #tpu.memory_space<hbm>>) target_semaphore(%run_scoped3A : memref<!tpu.dma_semaphore, #tpu.memory_space<semaphore_mem>>)
      %dma_wait3A = arith.constant 0 : i32
      %dma_wait3A_14 = tpu.memref_slice %arg6[%arg0, %mul3A_0, %dma_wait3A] : memref<2x10240x128xf32, #tpu.memory_space<hbm>> -> memref<1x640x128xf32, #tpu.memory_space<hbm>>
      %dma_wait3A_15 = tpu.memref_squeeze %dma_wait3A_14 : memref<1x640x128xf32, #tpu.memory_space<hbm>> -> memref<640x128xf32, #tpu.memory_space<hbm>>
      %dma_wait3A_16 = arith.constant 0 : i32
      %dma_wait3A_17 = tpu.memref_slice %arg10[%mul3A_0, %dma_wait3A_16] : memref<10240x128xf32, #tpu.memory_space<vmem_shared>> -> memref<640x128xf32, #tpu.memory_space<vmem_shared>>
      tpu.wait_dma2 semaphore(%run_scoped3A : memref<!tpu.dma_semaphore, #tpu.memory_space<semaphore_mem>>) src(%dma_wait3A_17 : memref<640x128xf32, #tpu.memory_space<vmem_shared>>) dst(%dma_wait3A_15 : memref<640x128xf32, #tpu.memory_space<hbm>>)
      tpu.yield
    }) : () -> ()
    return
  }
}

module attributes {stable_mosaic.version = 14 : i64} {
  func.func @body(%arg0: i32, %arg1: memref<256x128xf32, #tpu.memory_space<vmem>>, %arg2: memref<128x128xf32, #tpu.memory_space<vmem>>, %arg3: memref<2x256x1xf32, #tpu.memory_space<vmem>>, %arg4: memref<256x128xf32, #tpu.memory_space<vmem>>) attributes {dimension_semantics = [#tpu.dimension_semantics<arbitrary>], iteration_bounds = array<i64: 40>, scalar_prefetch = 0 : i64, scratch_operands = 0 : i64, tpu.core_type = #tpu.core_type<tc>, window_params = [{transform_indices = @transform_0, window_bounds = array<i64: 256, 128>}, {pipeline_mode = #tpu.pipeline_mode<synchronous>, transform_indices = @transform_1, window_bounds = array<i64: 128, 128>}, {transform_indices = @transform_2, window_bounds = array<i64: 2, 256, 1>}, {transform_indices = @transform_3, window_bounds = array<i64: 256, 128>}]} {
    %get3A = arith.constant 0 : index
    %get3A_0 = arith.constant 0 : index
    %get3A_1 = vector.load %arg1[%get3A, %get3A_0] : memref<256x128xf32, #tpu.memory_space<vmem>>, vector<256x128xf32>
    %get3A_2 = arith.constant 0 : index
    %get3A_3 = arith.constant 0 : index
    %get3A_4 = vector.load %arg2[%get3A_2, %get3A_3] : memref<128x128xf32, #tpu.memory_space<vmem>>, vector<128x128xf32>
    %dot_general3A = arith.constant dense<0.000000e+00> : vector<256x128xf32>
    %dot_general3A_5 = tpu.matmul %get3A_1, %get3A_4, %dot_general3A {dimension_numbers = #tpu.dot_dimension_numbers<[1], [0], [0], [1], [0, 0, 1, 1], [], []>, transpose_lhs_hint = false} : vector<256x128xf32>, vector<128x128xf32>, vector<256x128xf32> -> vector<256x128xf32>
    %get3A_6 = arith.constant 0 : index
    %get3A_7 = arith.constant 0 : index
    %get3A_8 = arith.constant 0 : index
    %get3A_9 = vector.load %arg3[%get3A_6, %get3A_7, %get3A_8] : memref<2x256x1xf32, #tpu.memory_space<vmem>>, vector<1x256x1xf32>
    %get3A_10 = vector.shape_cast %get3A_9 : vector<1x256x1xf32> to vector<256x1xf32>
    %get3A_11 = arith.constant 1 : index
    %get3A_12 = arith.constant 0 : index
    %get3A_13 = arith.constant 0 : index
    %get3A_14 = vector.load %arg3[%get3A_11, %get3A_12, %get3A_13] : memref<2x256x1xf32, #tpu.memory_space<vmem>>, vector<1x256x1xf32>
    %get3A_15 = vector.shape_cast %get3A_14 : vector<1x256x1xf32> to vector<256x1xf32>
    %add3A = arith.addf %get3A_10, %get3A_15 : vector<256x1xf32>
    %add3A_16 = arith.constant 1.000000e+00 : f32
    %add3A_17 = vector.broadcast %add3A_16 : f32 to vector<256x1xf32>
    %add3A_18 = arith.addf %add3A, %add3A_17 : vector<256x1xf32>
    %rsqrt3A = math.rsqrt %add3A_18 : vector<256x1xf32>
    %mul3A = vector.broadcast %rsqrt3A : vector<256x1xf32> to vector<256x128xf32>
    %mul3A_19 = arith.mulf %dot_general3A_5, %mul3A : vector<256x128xf32>
    %swap3A = arith.constant 0 : index
    %swap3A_20 = arith.constant 0 : index
    %swap3A_21 = vector.load %arg4[%swap3A, %swap3A_20] : memref<256x128xf32, #tpu.memory_space<vmem>>, vector<256x128xf32>
    tpu.vector_store %arg4[%swap3A, %swap3A_20], %mul3A_19 {strides = array<i32>} : memref<256x128xf32, #tpu.memory_space<vmem>>, vector<256x128xf32>,
    return
  }
  func.func @transform_0(%arg0: i32) -> (i32, i32) {
    %c0_i32 = arith.constant 0 : i32
    %c0_i32_0 = arith.constant 0 : i32
    return %arg0, %c0_i32 : i32, i32
  }
  func.func @transform_1(%arg0: i32) -> (i32, i32) {
    %c0_i32 = arith.constant 0 : i32
    %c0_i32_0 = arith.constant 0 : i32
    %c0_i32_1 = arith.constant 0 : i32
    return %c0_i32, %c0_i32_0 : i32, i32
  }
  func.func @transform_2(%arg0: i32) -> (i32, i32, i32) {
    %c0_i32 = arith.constant 0 : i32
    %c0_i32_0 = arith.constant 0 : i32
    %c0_i32_1 = arith.constant 0 : i32
    return %c0_i32, %arg0, %c0_i32_0 : i32, i32, i32
  }
  func.func @transform_3(%arg0: i32) -> (i32, i32) {
    %c0_i32 = arith.constant 0 : i32
    %c0_i32_0 = arith.constant 0 : i32
    return %arg0, %c0_i32 : i32, i32
  }
}

module attributes {stable_mosaic.version = 14 : i64} {
  func.func @body(%arg0: i32, %arg1: memref<256x128xf32, #tpu.memory_space<vmem>>, %arg2: memref<2x128xf32, #tpu.memory_space<vmem>>, %arg3: memref<1x128xf32, #tpu.memory_space<vmem>>, %arg4: memref<1x128xf32, #tpu.memory_space<vmem>>, %arg5: memref<128x128xf32, #tpu.memory_space<vmem>>, %arg6: memref<2x256x1xf32, #tpu.memory_space<vmem>>, %arg7: memref<256x128xf32, #tpu.memory_space<vmem>>) attributes {dimension_semantics = [#tpu.dimension_semantics<arbitrary>], iteration_bounds = array<i64: 40>, scalar_prefetch = 0 : i64, scratch_operands = 0 : i64, tpu.core_type = #tpu.core_type<tc>, window_params = [{transform_indices = @transform_0, window_bounds = array<i64: 256, 128>}, {pipeline_mode = #tpu.pipeline_mode<synchronous>, transform_indices = @transform_1, window_bounds = array<i64: 2, 128>}, {pipeline_mode = #tpu.pipeline_mode<synchronous>, transform_indices = @transform_2, window_bounds = array<i64: 1, 128>}, {pipeline_mode = #tpu.pipeline_mode<synchronous>, transform_indices = @transform_3, window_bounds = array<i64: 1, 128>}, {pipeline_mode = #tpu.pipeline_mode<synchronous>, transform_indices = @transform_4, window_bounds = array<i64: 128, 128>}, {transform_indices = @transform_5, window_bounds = array<i64: 2, 256, 1>}, {transform_indices = @transform_6, window_bounds = array<i64: 256, 128>}]} {
    %get3A = arith.constant 0 : index
    %get3A_0 = arith.constant 0 : index
    %get3A_1 = vector.load %arg1[%get3A, %get3A_0] : memref<256x128xf32, #tpu.memory_space<vmem>>, vector<256x128xf32>
    %get3A_2 = arith.constant 0 : index
    %get3A_3 = arith.constant 0 : index
    %get3A_4 = vector.load %arg2[%get3A_2, %get3A_3] : memref<2x128xf32, #tpu.memory_space<vmem>>, vector<1x128xf32>
    %div3A = arith.constant 1.000000e+04 : f32
    %div3A_5 = vector.broadcast %div3A : f32 to vector<1x128xf32>
    %div3A_6 = arith.divf %get3A_4, %div3A_5 : vector<1x128xf32>
    %get3A_7 = arith.constant 1 : index
    %get3A_8 = arith.constant 0 : index
    %get3A_9 = vector.load %arg2[%get3A_7, %get3A_8] : memref<2x128xf32, #tpu.memory_space<vmem>>, vector<1x128xf32>
    %div3A_10 = arith.constant 1.000000e+04 : f32
    %div3A_11 = vector.broadcast %div3A_10 : f32 to vector<1x128xf32>
    %div3A_12 = arith.divf %get3A_9, %div3A_11 : vector<1x128xf32>
    %mul3A = arith.mulf %div3A_6, %div3A_6 : vector<1x128xf32>
    %sub3A = arith.subf %div3A_12, %mul3A : vector<1x128xf32>
    %add3A = arith.constant 9.99999974E-6 : f32
    %add3A_13 = vector.broadcast %add3A : f32 to vector<1x128xf32>
    %add3A_14 = arith.addf %sub3A, %add3A_13 : vector<1x128xf32>
    %rsqrt3A = math.rsqrt %add3A_14 : vector<1x128xf32>
    %sub3A_15 = vector.broadcast %div3A_6 : vector<1x128xf32> to vector<256x128xf32>
    %sub3A_16 = arith.subf %get3A_1, %sub3A_15 : vector<256x128xf32>
    %mul3A_17 = vector.broadcast %rsqrt3A : vector<1x128xf32> to vector<256x128xf32>
    %mul3A_18 = arith.mulf %sub3A_16, %mul3A_17 : vector<256x128xf32>
    %get3A_19 = arith.constant 0 : index
    %get3A_20 = arith.constant 0 : index
    %get3A_21 = vector.load %arg3[%get3A_19, %get3A_20] : memref<1x128xf32, #tpu.memory_space<vmem>>, vector<1x128xf32>
    %mul3A_22 = vector.broadcast %get3A_21 : vector<1x128xf32> to vector<256x128xf32>
    %mul3A_23 = arith.mulf %mul3A_18, %mul3A_22 : vector<256x128xf32>
    %get3A_24 = arith.constant 0 : index
    %get3A_25 = arith.constant 0 : index
    %get3A_26 = vector.load %arg4[%get3A_24, %get3A_25] : memref<1x128xf32, #tpu.memory_space<vmem>>, vector<1x128xf32>
    %add3A_27 = vector.broadcast %get3A_26 : vector<1x128xf32> to vector<256x128xf32>
    %add3A_28 = arith.addf %mul3A_23, %add3A_27 : vector<256x128xf32>
    %max3A = arith.constant 0.000000e+00 : f32
    %max3A_29 = vector.broadcast %max3A : f32 to vector<256x128xf32>
    %max3A_30 = arith.maximumf %add3A_28, %max3A_29 : vector<256x128xf32>
    %get3A_31 = arith.constant 0 : index
    %get3A_32 = arith.constant 0 : index
    %get3A_33 = vector.load %arg5[%get3A_31, %get3A_32] : memref<128x128xf32, #tpu.memory_space<vmem>>, vector<128x128xf32>
    %dot_general3A = arith.constant dense<0.000000e+00> : vector<256x128xf32>
    %dot_general3A_34 = tpu.matmul %max3A_30, %get3A_33, %dot_general3A {dimension_numbers = #tpu.dot_dimension_numbers<[1], [0], [0], [1], [0, 0, 1, 1], [], []>, transpose_lhs_hint = false} : vector<256x128xf32>, vector<128x128xf32>, vector<256x128xf32> -> vector<256x128xf32>
    %get3A_35 = arith.constant 0 : index
    %get3A_36 = arith.constant 0 : index
    %get3A_37 = arith.constant 0 : index
    %get3A_38 = vector.load %arg6[%get3A_35, %get3A_36, %get3A_37] : memref<2x256x1xf32, #tpu.memory_space<vmem>>, vector<1x256x1xf32>
    %get3A_39 = vector.shape_cast %get3A_38 : vector<1x256x1xf32> to vector<256x1xf32>
    %get3A_40 = arith.constant 1 : index
    %get3A_41 = arith.constant 0 : index
    %get3A_42 = arith.constant 0 : index
    %get3A_43 = vector.load %arg6[%get3A_40, %get3A_41, %get3A_42] : memref<2x256x1xf32, #tpu.memory_space<vmem>>, vector<1x256x1xf32>
    %get3A_44 = vector.shape_cast %get3A_43 : vector<1x256x1xf32> to vector<256x1xf32>
    %add3A_45 = arith.addf %get3A_39, %get3A_44 : vector<256x1xf32>
    %add3A_46 = arith.constant 1.000000e+00 : f32
    %add3A_47 = vector.broadcast %add3A_46 : f32 to vector<256x1xf32>
    %add3A_48 = arith.addf %add3A_45, %add3A_47 : vector<256x1xf32>
    %rsqrt3A_49 = math.rsqrt %add3A_48 : vector<256x1xf32>
    %mul3A_50 = vector.broadcast %rsqrt3A_49 : vector<256x1xf32> to vector<256x128xf32>
    %mul3A_51 = arith.mulf %dot_general3A_34, %mul3A_50 : vector<256x128xf32>
    %swap3A = arith.constant 0 : index
    %swap3A_52 = arith.constant 0 : index
    %swap3A_53 = vector.load %arg7[%swap3A, %swap3A_52] : memref<256x128xf32, #tpu.memory_space<vmem>>, vector<256x128xf32>
    tpu.vector_store %arg7[%swap3A, %swap3A_52], %mul3A_51 {strides = array<i32>} : memref<256x128xf32, #tpu.memory_space<vmem>>, vector<256x128xf32>,
    return
  }
  func.func @transform_0(%arg0: i32) -> (i32, i32) {
    %c0_i32 = arith.constant 0 : i32
    %c0_i32_0 = arith.constant 0 : i32
    return %arg0, %c0_i32 : i32, i32
  }
  func.func @transform_1(%arg0: i32) -> (i32, i32) {
    %c0_i32 = arith.constant 0 : i32
    %c0_i32_0 = arith.constant 0 : i32
    %c0_i32_1 = arith.constant 0 : i32
    return %c0_i32, %c0_i32_0 : i32, i32
  }
  func.func @transform_2(%arg0: i32) -> (i32, i32) {
    %c0_i32 = arith.constant 0 : i32
    %c0_i32_0 = arith.constant 0 : i32
    %c0_i32_1 = arith.constant 0 : i32
    return %c0_i32, %c0_i32_0 : i32, i32
  }
  func.func @transform_3(%arg0: i32) -> (i32, i32) {
    %c0_i32 = arith.constant 0 : i32
    %c0_i32_0 = arith.constant 0 : i32
    %c0_i32_1 = arith.constant 0 : i32
    return %c0_i32, %c0_i32_0 : i32, i32
  }
  func.func @transform_4(%arg0: i32) -> (i32, i32) {
    %c0_i32 = arith.constant 0 : i32
    %c0_i32_0 = arith.constant 0 : i32
    %c0_i32_1 = arith.constant 0 : i32
    return %c0_i32, %c0_i32_0 : i32, i32
  }
  func.func @transform_5(%arg0: i32) -> (i32, i32, i32) {
    %c0_i32 = arith.constant 0 : i32
    %c0_i32_0 = arith.constant 0 : i32
    %c0_i32_1 = arith.constant 0 : i32
    return %c0_i32, %arg0, %c0_i32_0 : i32, i32, i32
  }
  func.func @transform_6(%arg0: i32) -> (i32, i32) {
    %c0_i32 = arith.constant 0 : i32
    %c0_i32_0 = arith.constant 0 : i32
    return %arg0, %c0_i32 : i32, i32
  }
}

module attributes {stable_mosaic.version = 14 : i64} {
  func.func @body(%arg0: i32, %arg1: memref<2x256x128xf32, #tpu.memory_space<vmem>>, %arg2: memref<256x128xf32, #tpu.memory_space<vmem>>, %arg3: memref<2x256x1xf32, #tpu.memory_space<vmem>>, %arg4: memref<1x128xf32, #tpu.memory_space<vmem>>, %arg5: memref<256x128xf32, #tpu.memory_space<vmem>>, %arg6: memref<2x128xf32, #tpu.memory_space<vmem>>) attributes {dimension_semantics = [#tpu.dimension_semantics<arbitrary>], iteration_bounds = array<i64: 40>, scalar_prefetch = 0 : i64, scratch_operands = 0 : i64, tpu.core_type = #tpu.core_type<tc>, window_params = [{transform_indices = @transform_0, window_bounds = array<i64: 2, 256, 128>}, {transform_indices = @transform_1, window_bounds = array<i64: 256, 128>}, {transform_indices = @transform_2, window_bounds = array<i64: 2, 256, 1>}, {pipeline_mode = #tpu.pipeline_mode<synchronous>, transform_indices = @transform_3, window_bounds = array<i64: 1, 128>}, {transform_indices = @transform_4, window_bounds = array<i64: 256, 128>}, {pipeline_mode = #tpu.pipeline_mode<synchronous>, transform_indices = @transform_5, window_bounds = array<i64: 2, 128>}]} {
    %get3A = arith.constant 0 : index
    %get3A_0 = arith.constant 0 : index
    %get3A_1 = arith.constant 0 : index
    %get3A_2 = vector.load %arg1[%get3A, %get3A_0, %get3A_1] : memref<2x256x128xf32, #tpu.memory_space<vmem>>, vector<1x256x128xf32>
    %get3A_3 = vector.shape_cast %get3A_2 : vector<1x256x128xf32> to vector<256x128xf32>
    %get3A_4 = arith.constant 1 : index
    %get3A_5 = arith.constant 0 : index
    %get3A_6 = arith.constant 0 : index
    %get3A_7 = vector.load %arg1[%get3A_4, %get3A_5, %get3A_6] : memref<2x256x128xf32, #tpu.memory_space<vmem>>, vector<1x256x128xf32>
    %get3A_8 = vector.shape_cast %get3A_7 : vector<1x256x128xf32> to vector<256x128xf32>
    %add3A = arith.addf %get3A_3, %get3A_8 : vector<256x128xf32>
    %get3A_9 = arith.constant 0 : index
    %get3A_10 = arith.constant 0 : index
    %get3A_11 = vector.load %arg2[%get3A_9, %get3A_10] : memref<256x128xf32, #tpu.memory_space<vmem>>, vector<256x128xf32>
    %add3A_12 = arith.addf %add3A, %get3A_11 : vector<256x128xf32>
    %get3A_13 = arith.constant 0 : index
    %get3A_14 = arith.constant 0 : index
    %get3A_15 = arith.constant 0 : index
    %get3A_16 = vector.load %arg3[%get3A_13, %get3A_14, %get3A_15] : memref<2x256x1xf32, #tpu.memory_space<vmem>>, vector<1x256x1xf32>
    %get3A_17 = vector.shape_cast %get3A_16 : vector<1x256x1xf32> to vector<256x1xf32>
    %get3A_18 = arith.constant 1 : index
    %get3A_19 = arith.constant 0 : index
    %get3A_20 = arith.constant 0 : index
    %get3A_21 = vector.load %arg3[%get3A_18, %get3A_19, %get3A_20] : memref<2x256x1xf32, #tpu.memory_space<vmem>>, vector<1x256x1xf32>
    %get3A_22 = vector.shape_cast %get3A_21 : vector<1x256x1xf32> to vector<256x1xf32>
    %add3A_23 = arith.addf %get3A_17, %get3A_22 : vector<256x1xf32>
    %add3A_24 = arith.constant 1.000000e+00 : f32
    %add3A_25 = vector.broadcast %add3A_24 : f32 to vector<256x1xf32>
    %add3A_26 = arith.addf %add3A_23, %add3A_25 : vector<256x1xf32>
    %rsqrt3A = math.rsqrt %add3A_26 : vector<256x1xf32>
    %mul3A = vector.broadcast %rsqrt3A : vector<256x1xf32> to vector<256x128xf32>
    %mul3A_27 = arith.mulf %add3A_12, %mul3A : vector<256x128xf32>
    %get3A_28 = arith.constant 0 : index
    %get3A_29 = arith.constant 0 : index
    %get3A_30 = vector.load %arg4[%get3A_28, %get3A_29] : memref<1x128xf32, #tpu.memory_space<vmem>>, vector<1x128xf32>
    %add3A_31 = vector.broadcast %get3A_30 : vector<1x128xf32> to vector<256x128xf32>
    %add3A_32 = arith.addf %mul3A_27, %add3A_31 : vector<256x128xf32>
    %swap3A = arith.constant 0 : index
    %swap3A_33 = arith.constant 0 : index
    %swap3A_34 = vector.load %arg5[%swap3A, %swap3A_33] : memref<256x128xf32, #tpu.memory_space<vmem>>, vector<256x128xf32>
    tpu.vector_store %arg5[%swap3A, %swap3A_33], %add3A_32 {strides = array<i32>} : memref<256x128xf32, #tpu.memory_space<vmem>>, vector<256x128xf32>,
    %iota3A = tpu.iota {dimensions = array<i32: 0>} : vector<256x1xi32>
    %mul3A_35 = arith.constant 256 : i32
    %mul3A_36 = arith.muli %arg0, %mul3A_35 : i32
    %add3A_37 = vector.broadcast %mul3A_36 : i32 to vector<256x1xi32>
    %add3A_38 = arith.addi %iota3A, %add3A_37 : vector<256x1xi32>
    %lt3A = arith.constant 10000 : i32
    %lt3A_39 = vector.broadcast %lt3A : i32 to vector<256x1xi32>
    %lt3A_40 = arith.cmpi slt, %add3A_38, %lt3A_39 : vector<256x1xi32>
    %convert_element_type3A = arith.extui %lt3A_40 : vector<256x1xi1> to vector<256x1xi32>
    %convert_element_type3A_41 = arith.sitofp %convert_element_type3A : vector<256x1xi32> to vector<256x1xf32>
    %mul3A_42 = vector.broadcast %convert_element_type3A_41 : vector<256x1xf32> to vector<256x128xf32>
    %mul3A_43 = arith.mulf %add3A_32, %mul3A_42 : vector<256x128xf32>
    %eq3A = arith.constant 0 : i32
    %eq3A_44 = arith.cmpi eq, %arg0, %eq3A : i32
    %convert_element_type3A_45 = arith.extui %eq3A_44 : i1 to i32
    %cond3A = arith.constant 0 : i32
    %cond3A_46 = arith.cmpi ne, %convert_element_type3A_45, %cond3A : i32
    scf.if %cond3A_46 {
      %broadcast_in_dim3A_59 = arith.constant 0.000000e+00 : f32
      %broadcast_in_dim3A_60 = vector.broadcast %broadcast_in_dim3A_59 : f32 to vector<2x128xf32>
      %swap3A_61 = arith.constant 0 : index
      %swap3A_62 = arith.constant 0 : index
      %swap3A_63 = vector.load %arg6[%swap3A_61, %swap3A_62] : memref<2x128xf32, #tpu.memory_space<vmem>>, vector<2x128xf32>
      tpu.vector_store %arg6[%swap3A_61, %swap3A_62], %broadcast_in_dim3A_60 {strides = array<i32>} : memref<2x128xf32, #tpu.memory_space<vmem>>, vector<2x128xf32>,
    } else {
    }
    %get3A_47 = arith.constant 0 : index
    %get3A_48 = arith.constant 0 : index
    %get3A_49 = vector.load %arg6[%get3A_47, %get3A_48] : memref<2x128xf32, #tpu.memory_space<vmem>>, vector<2x128xf32>
    %reduce_sum3A = arith.constant dense<0.000000e+00> : vector<128xf32>
    %reduce_sum3A_50 = vector.multi_reduction <add>, %mul3A_43, %reduce_sum3A [0] : vector<256x128xf32> to vector<128xf32>
    %broadcast_in_dim3A = vector.shape_cast %reduce_sum3A_50 : vector<128xf32> to vector<1x128xf32>
    %mul3A_51 = arith.mulf %add3A_32, %mul3A_43 : vector<256x128xf32>
    %reduce_sum3A_52 = arith.constant dense<0.000000e+00> : vector<128xf32>
    %reduce_sum3A_53 = vector.multi_reduction <add>, %mul3A_51, %reduce_sum3A_52 [0] : vector<256x128xf32> to vector<128xf32>
    %broadcast_in_dim3A_54 = vector.shape_cast %reduce_sum3A_53 : vector<128xf32> to vector<1x128xf32>
    %concatenate3A = tpu.concatenate %broadcast_in_dim3A, %broadcast_in_dim3A_54 in 0 : vector<1x128xf32>, vector<1x128xf32> -> vector<2x128xf32>
    %add3A_55 = arith.addf %get3A_49, %concatenate3A : vector<2x128xf32>
    %swap3A_56 = arith.constant 0 : index
    %swap3A_57 = arith.constant 0 : index
    %swap3A_58 = vector.load %arg6[%swap3A_56, %swap3A_57] : memref<2x128xf32, #tpu.memory_space<vmem>>, vector<2x128xf32>
    tpu.vector_store %arg6[%swap3A_56, %swap3A_57], %add3A_55 {strides = array<i32>} : memref<2x128xf32, #tpu.memory_space<vmem>>, vector<2x128xf32>,
    return
  }
  func.func @transform_0(%arg0: i32) -> (i32, i32, i32) {
    %c0_i32 = arith.constant 0 : i32
    %c0_i32_0 = arith.constant 0 : i32
    %c0_i32_1 = arith.constant 0 : i32
    return %c0_i32, %arg0, %c0_i32_0 : i32, i32, i32
  }
  func.func @transform_1(%arg0: i32) -> (i32, i32) {
    %c0_i32 = arith.constant 0 : i32
    %c0_i32_0 = arith.constant 0 : i32
    return %arg0, %c0_i32 : i32, i32
  }
  func.func @transform_2(%arg0: i32) -> (i32, i32, i32) {
    %c0_i32 = arith.constant 0 : i32
    %c0_i32_0 = arith.constant 0 : i32
    %c0_i32_1 = arith.constant 0 : i32
    return %c0_i32, %arg0, %c0_i32_0 : i32, i32, i32
  }
  func.func @transform_3(%arg0: i32) -> (i32, i32) {
    %c0_i32 = arith.constant 0 : i32
    %c0_i32_0 = arith.constant 0 : i32
    %c0_i32_1 = arith.constant 0 : i32
    return %c0_i32, %c0_i32_0 : i32, i32
  }
  func.func @transform_4(%arg0: i32) -> (i32, i32) {
    %c0_i32 = arith.constant 0 : i32
    %c0_i32_0 = arith.constant 0 : i32
    return %arg0, %c0_i32 : i32, i32
  }
  func.func @transform_5(%arg0: i32) -> (i32, i32) {
    %c0_i32 = arith.constant 0 : i32
    %c0_i32_0 = arith.constant 0 : i32
    %c0_i32_1 = arith.constant 0 : i32
    return %c0_i32, %c0_i32_0 : i32, i32
  }
}

module attributes {stable_mosaic.version = 14 : i64} {
  func.func @body(%arg0: i32, %arg1: memref<256x128xf32, #tpu.memory_space<vmem>>, %arg2: memref<2x128xf32, #tpu.memory_space<vmem>>, %arg3: memref<1x128xf32, #tpu.memory_space<vmem>>, %arg4: memref<1x128xf32, #tpu.memory_space<vmem>>, %arg5: memref<256x1xf32, #tpu.memory_space<vmem>>, %arg6: memref<64x128xf32, #tpu.memory_space<vmem>>, %arg7: memref<64x128xf32, #tpu.memory_space<vmem>>) attributes {dimension_semantics = [#tpu.dimension_semantics<arbitrary>], iteration_bounds = array<i64: 40>, scalar_prefetch = 0 : i64, scratch_operands = 0 : i64, tpu.core_type = #tpu.core_type<tc>, window_params = [{transform_indices = @transform_0, window_bounds = array<i64: 256, 128>}, {pipeline_mode = #tpu.pipeline_mode<synchronous>, transform_indices = @transform_1, window_bounds = array<i64: 2, 128>}, {pipeline_mode = #tpu.pipeline_mode<synchronous>, transform_indices = @transform_2, window_bounds = array<i64: 1, 128>}, {pipeline_mode = #tpu.pipeline_mode<synchronous>, transform_indices = @transform_3, window_bounds = array<i64: 1, 128>}, {transform_indices = @transform_4, window_bounds = array<i64: 256, 1>}, {pipeline_mode = #tpu.pipeline_mode<synchronous>, transform_indices = @transform_5, window_bounds = array<i64: 64, 128>}, {pipeline_mode = #tpu.pipeline_mode<synchronous>, transform_indices = @transform_6, window_bounds = array<i64: 64, 128>}]} {
    %get3A = arith.constant 0 : index
    %get3A_0 = arith.constant 0 : index
    %get3A_1 = vector.load %arg1[%get3A, %get3A_0] : memref<256x128xf32, #tpu.memory_space<vmem>>, vector<256x128xf32>
    %get3A_2 = arith.constant 0 : index
    %get3A_3 = arith.constant 0 : index
    %get3A_4 = vector.load %arg2[%get3A_2, %get3A_3] : memref<2x128xf32, #tpu.memory_space<vmem>>, vector<1x128xf32>
    %div3A = arith.constant 1.000000e+04 : f32
    %div3A_5 = vector.broadcast %div3A : f32 to vector<1x128xf32>
    %div3A_6 = arith.divf %get3A_4, %div3A_5 : vector<1x128xf32>
    %get3A_7 = arith.constant 1 : index
    %get3A_8 = arith.constant 0 : index
    %get3A_9 = vector.load %arg2[%get3A_7, %get3A_8] : memref<2x128xf32, #tpu.memory_space<vmem>>, vector<1x128xf32>
    %div3A_10 = arith.constant 1.000000e+04 : f32
    %div3A_11 = vector.broadcast %div3A_10 : f32 to vector<1x128xf32>
    %div3A_12 = arith.divf %get3A_9, %div3A_11 : vector<1x128xf32>
    %mul3A = arith.mulf %div3A_6, %div3A_6 : vector<1x128xf32>
    %sub3A = arith.subf %div3A_12, %mul3A : vector<1x128xf32>
    %add3A = arith.constant 9.99999974E-6 : f32
    %add3A_13 = vector.broadcast %add3A : f32 to vector<1x128xf32>
    %add3A_14 = arith.addf %sub3A, %add3A_13 : vector<1x128xf32>
    %rsqrt3A = math.rsqrt %add3A_14 : vector<1x128xf32>
    %sub3A_15 = vector.broadcast %div3A_6 : vector<1x128xf32> to vector<256x128xf32>
    %sub3A_16 = arith.subf %get3A_1, %sub3A_15 : vector<256x128xf32>
    %mul3A_17 = vector.broadcast %rsqrt3A : vector<1x128xf32> to vector<256x128xf32>
    %mul3A_18 = arith.mulf %sub3A_16, %mul3A_17 : vector<256x128xf32>
    %get3A_19 = arith.constant 0 : index
    %get3A_20 = arith.constant 0 : index
    %get3A_21 = vector.load %arg3[%get3A_19, %get3A_20] : memref<1x128xf32, #tpu.memory_space<vmem>>, vector<1x128xf32>
    %mul3A_22 = vector.broadcast %get3A_21 : vector<1x128xf32> to vector<256x128xf32>
    %mul3A_23 = arith.mulf %mul3A_18, %mul3A_22 : vector<256x128xf32>
    %get3A_24 = arith.constant 0 : index
    %get3A_25 = arith.constant 0 : index
    %get3A_26 = vector.load %arg4[%get3A_24, %get3A_25] : memref<1x128xf32, #tpu.memory_space<vmem>>, vector<1x128xf32>
    %add3A_27 = vector.broadcast %get3A_26 : vector<1x128xf32> to vector<256x128xf32>
    %add3A_28 = arith.addf %mul3A_23, %add3A_27 : vector<256x128xf32>
    %max3A = arith.constant 0.000000e+00 : f32
    %max3A_29 = vector.broadcast %max3A : f32 to vector<256x128xf32>
    %max3A_30 = arith.maximumf %add3A_28, %max3A_29 : vector<256x128xf32>
    %iota3A = tpu.iota {dimensions = array<i32: 1>} : vector<256x64xi32>
    %convert_element_type3A = arith.sitofp %iota3A : vector<256x64xi32> to vector<256x64xf32>
    %get3A_31 = arith.constant 0 : index
    %get3A_32 = arith.constant 0 : index
    %get3A_33 = vector.load %arg5[%get3A_31, %get3A_32] : memref<256x1xf32, #tpu.memory_space<vmem>>, vector<256x1xf32>
    %eq3A = vector.broadcast %get3A_33 : vector<256x1xf32> to vector<256x64xf32>
    %eq3A_34 = arith.cmpf oeq, %eq3A, %convert_element_type3A : vector<256x64xf32>
    %convert_element_type3A_35 = arith.extui %eq3A_34 : vector<256x64xi1> to vector<256x64xi32>
    %convert_element_type3A_36 = arith.sitofp %convert_element_type3A_35 : vector<256x64xi32> to vector<256x64xf32>
    %dot_general3A = arith.constant dense<0.000000e+00> : vector<64x128xf32>
    %dot_general3A_37 = tpu.matmul %convert_element_type3A_36, %max3A_30, %dot_general3A {dimension_numbers = #tpu.dot_dimension_numbers<[0], [0], [1], [1], [0, 1, 1, 1], [], []>, precision = #tpu.contract_precision<fp32>, transpose_lhs_hint = false} : vector<256x64xf32>, vector<256x128xf32>, vector<64x128xf32> -> vector<64x128xf32>
    %broadcast_in_dim3A = arith.constant 1.000000e+00 : f32
    %broadcast_in_dim3A_38 = vector.broadcast %broadcast_in_dim3A : f32 to vector<256x128xf32>
    %dot_general3A_39 = arith.constant dense<0.000000e+00> : vector<64x128xf32>
    %dot_general3A_40 = tpu.matmul %convert_element_type3A_36, %broadcast_in_dim3A_38, %dot_general3A_39 {dimension_numbers = #tpu.dot_dimension_numbers<[0], [0], [1], [1], [0, 1, 1, 1], [], []>, precision = #tpu.contract_precision<fp32>, transpose_lhs_hint = false} : vector<256x64xf32>, vector<256x128xf32>, vector<64x128xf32> -> vector<64x128xf32>
    %eq3A_41 = arith.constant 0 : i32
    %eq3A_42 = arith.cmpi eq, %arg0, %eq3A_41 : i32
    %convert_element_type3A_43 = arith.extui %eq3A_42 : i1 to i32
    %cond3A = arith.constant 0 : i32
    %cond3A_44 = arith.cmpi ne, %convert_element_type3A_43, %cond3A : i32
    scf.if %cond3A_44 {
      %broadcast_in_dim3A_58 = arith.constant 0.000000e+00 : f32
      %broadcast_in_dim3A_59 = vector.broadcast %broadcast_in_dim3A_58 : f32 to vector<64x128xf32>
      %swap3A_60 = arith.constant 0 : index
      %swap3A_61 = arith.constant 0 : index
      %swap3A_62 = vector.load %arg6[%swap3A_60, %swap3A_61] : memref<64x128xf32, #tpu.memory_space<vmem>>, vector<64x128xf32>
      tpu.vector_store %arg6[%swap3A_60, %swap3A_61], %broadcast_in_dim3A_59 {strides = array<i32>} : memref<64x128xf32, #tpu.memory_space<vmem>>, vector<64x128xf32>,
      %broadcast_in_dim3A_63 = arith.constant 0.000000e+00 : f32
      %broadcast_in_dim3A_64 = vector.broadcast %broadcast_in_dim3A_63 : f32 to vector<64x128xf32>
      %swap3A_65 = arith.constant 0 : index
      %swap3A_66 = arith.constant 0 : index
      %swap3A_67 = vector.load %arg7[%swap3A_65, %swap3A_66] : memref<64x128xf32, #tpu.memory_space<vmem>>, vector<64x128xf32>
      tpu.vector_store %arg7[%swap3A_65, %swap3A_66], %broadcast_in_dim3A_64 {strides = array<i32>} : memref<64x128xf32, #tpu.memory_space<vmem>>, vector<64x128xf32>,
    } else {
    }
    %get3A_45 = arith.constant 0 : index
    %get3A_46 = arith.constant 0 : index
    %get3A_47 = vector.load %arg6[%get3A_45, %get3A_46] : memref<64x128xf32, #tpu.memory_space<vmem>>, vector<64x128xf32>
    %add3A_48 = arith.addf %get3A_47, %dot_general3A_37 : vector<64x128xf32>
    %swap3A = arith.constant 0 : index
    %swap3A_49 = arith.constant 0 : index
    %swap3A_50 = vector.load %arg6[%swap3A, %swap3A_49] : memref<64x128xf32, #tpu.memory_space<vmem>>, vector<64x128xf32>
    tpu.vector_store %arg6[%swap3A, %swap3A_49], %add3A_48 {strides = array<i32>} : memref<64x128xf32, #tpu.memory_space<vmem>>, vector<64x128xf32>,
    %get3A_51 = arith.constant 0 : index
    %get3A_52 = arith.constant 0 : index
    %get3A_53 = vector.load %arg7[%get3A_51, %get3A_52] : memref<64x128xf32, #tpu.memory_space<vmem>>, vector<64x128xf32>
    %add3A_54 = arith.addf %get3A_53, %dot_general3A_40 : vector<64x128xf32>
    %swap3A_55 = arith.constant 0 : index
    %swap3A_56 = arith.constant 0 : index
    %swap3A_57 = vector.load %arg7[%swap3A_55, %swap3A_56] : memref<64x128xf32, #tpu.memory_space<vmem>>, vector<64x128xf32>
    tpu.vector_store %arg7[%swap3A_55, %swap3A_56], %add3A_54 {strides = array<i32>} : memref<64x128xf32, #tpu.memory_space<vmem>>, vector<64x128xf32>,
    return
  }
  func.func @transform_0(%arg0: i32) -> (i32, i32) {
    %c0_i32 = arith.constant 0 : i32
    %c0_i32_0 = arith.constant 0 : i32
    return %arg0, %c0_i32 : i32, i32
  }
  func.func @transform_1(%arg0: i32) -> (i32, i32) {
    %c0_i32 = arith.constant 0 : i32
    %c0_i32_0 = arith.constant 0 : i32
    %c0_i32_1 = arith.constant 0 : i32
    return %c0_i32, %c0_i32_0 : i32, i32
  }
  func.func @transform_2(%arg0: i32) -> (i32, i32) {
    %c0_i32 = arith.constant 0 : i32
    %c0_i32_0 = arith.constant 0 : i32
    %c0_i32_1 = arith.constant 0 : i32
    return %c0_i32, %c0_i32_0 : i32, i32
  }
  func.func @transform_3(%arg0: i32) -> (i32, i32) {
    %c0_i32 = arith.constant 0 : i32
    %c0_i32_0 = arith.constant 0 : i32
    %c0_i32_1 = arith.constant 0 : i32
    return %c0_i32, %c0_i32_0 : i32, i32
  }
  func.func @transform_4(%arg0: i32) -> (i32, i32) {
    %c0_i32 = arith.constant 0 : i32
    %c0_i32_0 = arith.constant 0 : i32
    return %arg0, %c0_i32 : i32, i32
  }
  func.func @transform_5(%arg0: i32) -> (i32, i32) {
    %c0_i32 = arith.constant 0 : i32
    %c0_i32_0 = arith.constant 0 : i32
    %c0_i32_1 = arith.constant 0 : i32
    return %c0_i32, %c0_i32_0 : i32, i32
  }
  func.func @transform_6(%arg0: i32) -> (i32, i32) {
    %c0_i32 = arith.constant 0 : i32
    %c0_i32_0 = arith.constant 0 : i32
    %c0_i32_1 = arith.constant 0 : i32
    return %c0_i32, %c0_i32_0 : i32, i32
  }
}

module attributes {stable_mosaic.version = 14 : i64} {
  func.func @body(%arg0: memref<64x128xf32, #tpu.memory_space<vmem>>, %arg1: memref<64x128xf32, #tpu.memory_space<vmem>>, %arg2: memref<128x128xf32, #tpu.memory_space<vmem>>, %arg3: memref<1x128xf32, #tpu.memory_space<vmem>>, %arg4: memref<1x128xf32, #tpu.memory_space<vmem>>, %arg5: memref<1x128xf32, #tpu.memory_space<vmem>>, %arg6: memref<1x128xf32, #tpu.memory_space<vmem>>, %arg7: memref<1x1xf32, #tpu.memory_space<vmem>>, %arg8: memref<64x1xf32, #tpu.memory_space<vmem>>) attributes {dimension_semantics = [], scalar_prefetch = 0 : i64, scratch_operands = 0 : i64, tpu.core_type = #tpu.core_type<tc>} {
    %get3A = arith.constant 0 : index
    %get3A_0 = arith.constant 0 : index
    %get3A_1 = vector.load %arg0[%get3A, %get3A_0] : memref<64x128xf32, #tpu.memory_space<vmem>>, vector<64x128xf32>
    %get3A_2 = arith.constant 0 : index
    %get3A_3 = arith.constant 0 : index
    %get3A_4 = vector.load %arg1[%get3A_2, %get3A_3] : memref<64x128xf32, #tpu.memory_space<vmem>>, vector<64x128xf32>
    %max3A = arith.constant 1.000000e+00 : f32
    %max3A_5 = vector.broadcast %max3A : f32 to vector<64x128xf32>
    %max3A_6 = arith.maximumf %get3A_4, %max3A_5 : vector<64x128xf32>
    %div3A = arith.divf %get3A_1, %max3A_6 : vector<64x128xf32>
    %get3A_7 = arith.constant 0 : index
    %get3A_8 = arith.constant 0 : index
    %get3A_9 = vector.load %arg2[%get3A_7, %get3A_8] : memref<128x128xf32, #tpu.memory_space<vmem>>, vector<128x128xf32>
    %dot_general3A = arith.constant dense<0.000000e+00> : vector<64x128xf32>
    %dot_general3A_10 = tpu.matmul %div3A, %get3A_9, %dot_general3A {dimension_numbers = #tpu.dot_dimension_numbers<[1], [0], [0], [1], [0, 0, 1, 1], [], []>, transpose_lhs_hint = false} : vector<64x128xf32>, vector<128x128xf32>, vector<64x128xf32> -> vector<64x128xf32>
    %get3A_11 = arith.constant 0 : index
    %get3A_12 = arith.constant 0 : index
    %get3A_13 = vector.load %arg3[%get3A_11, %get3A_12] : memref<1x128xf32, #tpu.memory_space<vmem>>, vector<1x128xf32>
    %add3A = vector.broadcast %get3A_13 : vector<1x128xf32> to vector<64x128xf32>
    %add3A_14 = arith.addf %dot_general3A_10, %add3A : vector<64x128xf32>
    %reduce_sum3A = arith.constant dense<0.000000e+00> : vector<128xf32>
    %reduce_sum3A_15 = vector.multi_reduction <add>, %add3A_14, %reduce_sum3A [0] : vector<64x128xf32> to vector<128xf32>
    %broadcast_in_dim3A = vector.shape_cast %reduce_sum3A_15 : vector<128xf32> to vector<1x128xf32>
    %div3A_16 = arith.constant 6.400000e+01 : f32
    %div3A_17 = vector.broadcast %div3A_16 : f32 to vector<1x128xf32>
    %div3A_18 = arith.divf %broadcast_in_dim3A, %div3A_17 : vector<1x128xf32>
    %mul3A = arith.mulf %add3A_14, %add3A_14 : vector<64x128xf32>
    %reduce_sum3A_19 = arith.constant dense<0.000000e+00> : vector<128xf32>
    %reduce_sum3A_20 = vector.multi_reduction <add>, %mul3A, %reduce_sum3A_19 [0] : vector<64x128xf32> to vector<128xf32>
    %broadcast_in_dim3A_21 = vector.shape_cast %reduce_sum3A_20 : vector<128xf32> to vector<1x128xf32>
    %div3A_22 = arith.constant 6.400000e+01 : f32
    %div3A_23 = vector.broadcast %div3A_22 : f32 to vector<1x128xf32>
    %div3A_24 = arith.divf %broadcast_in_dim3A_21, %div3A_23 : vector<1x128xf32>
    %mul3A_25 = arith.mulf %div3A_18, %div3A_18 : vector<1x128xf32>
    %sub3A = arith.subf %div3A_24, %mul3A_25 : vector<1x128xf32>
    %sub3A_26 = vector.broadcast %div3A_18 : vector<1x128xf32> to vector<64x128xf32>
    %sub3A_27 = arith.subf %add3A_14, %sub3A_26 : vector<64x128xf32>
    %add3A_28 = arith.constant 9.99999974E-6 : f32
    %add3A_29 = vector.broadcast %add3A_28 : f32 to vector<1x128xf32>
    %add3A_30 = arith.addf %sub3A, %add3A_29 : vector<1x128xf32>
    %rsqrt3A = math.rsqrt %add3A_30 : vector<1x128xf32>
    %mul3A_31 = vector.broadcast %rsqrt3A : vector<1x128xf32> to vector<64x128xf32>
    %mul3A_32 = arith.mulf %sub3A_27, %mul3A_31 : vector<64x128xf32>
    %get3A_33 = arith.constant 0 : index
    %get3A_34 = arith.constant 0 : index
    %get3A_35 = vector.load %arg4[%get3A_33, %get3A_34] : memref<1x128xf32, #tpu.memory_space<vmem>>, vector<1x128xf32>
    %mul3A_36 = vector.broadcast %get3A_35 : vector<1x128xf32> to vector<64x128xf32>
    %mul3A_37 = arith.mulf %mul3A_32, %mul3A_36 : vector<64x128xf32>
    %get3A_38 = arith.constant 0 : index
    %get3A_39 = arith.constant 0 : index
    %get3A_40 = vector.load %arg5[%get3A_38, %get3A_39] : memref<1x128xf32, #tpu.memory_space<vmem>>, vector<1x128xf32>
    %add3A_41 = vector.broadcast %get3A_40 : vector<1x128xf32> to vector<64x128xf32>
    %add3A_42 = arith.addf %mul3A_37, %add3A_41 : vector<64x128xf32>
    %max3A_43 = arith.constant 0.000000e+00 : f32
    %max3A_44 = vector.broadcast %max3A_43 : f32 to vector<64x128xf32>
    %max3A_45 = arith.maximumf %add3A_42, %max3A_44 : vector<64x128xf32>
    %get3A_46 = arith.constant 0 : index
    %get3A_47 = arith.constant 0 : index
    %get3A_48 = vector.load %arg6[%get3A_46, %get3A_47] : memref<1x128xf32, #tpu.memory_space<vmem>>, vector<1x128xf32>
    %mul3A_49 = vector.broadcast %get3A_48 : vector<1x128xf32> to vector<64x128xf32>
    %mul3A_50 = arith.mulf %max3A_45, %mul3A_49 : vector<64x128xf32>
    %reduce_sum3A_51 = arith.constant dense<0.000000e+00> : vector<64xf32>
    %reduce_sum3A_52 = vector.multi_reduction <add>, %mul3A_50, %reduce_sum3A_51 [1] : vector<64x128xf32> to vector<64xf32>
    %broadcast_in_dim3A_53 = vector.shape_cast %reduce_sum3A_52 : vector<64xf32> to vector<64x1xf32>
    %get3A_54 = arith.constant 0 : index
    %get3A_55 = arith.constant 0 : index
    %get3A_56 = vector.load %arg7[%get3A_54, %get3A_55] : memref<1x1xf32, #tpu.memory_space<vmem>>, vector<1x1xf32>
    %add3A_57 = vector.broadcast %get3A_56 : vector<1x1xf32> to vector<64x1xf32>
    %add3A_58 = arith.addf %broadcast_in_dim3A_53, %add3A_57 : vector<64x1xf32>
    %max3A_59 = arith.constant 0.000000e+00 : f32
    %max3A_60 = vector.broadcast %max3A_59 : f32 to vector<64x1xf32>
    %max3A_61 = arith.maximumf %add3A_58, %max3A_60 : vector<64x1xf32>
    %swap3A = arith.constant 0 : index
    %swap3A_62 = arith.constant 0 : index
    %swap3A_63 = vector.load %arg8[%swap3A, %swap3A_62] : memref<64x1xf32, #tpu.memory_space<vmem>>, vector<64x1xf32>
    tpu.vector_store %arg8[%swap3A, %swap3A_62], %max3A_61 {strides = array<i32>} : memref<64x1xf32, #tpu.memory_space<vmem>>, vector<64x1xf32>,
    return
  }
}

</mosaic_0001>

<sc_bundles>
// kernel: kernel.11.cloned.1.call-start
scs
__scs_entry_jumppad:
0x0: {  	(pc) =	sbr.rel $0x88, $3  }
0x1: {  	(tag) =	ssettag $0x0;
	lr =	simm.s32 $0x1  }
0x2: {  	[smem:$0x3F90] =	sst lr;
	_ =	strace $0xD0000000  }
0x3: {  	_ = 	snop  }
0x4: {  	_ = 	snop  }
0x5: {  	_ = 	snop  }
0x6: {  	_ = 	snop  }
0x7: {  	_ = 	snop  }
__scs_overlays_trampoline_lowered:
0x8: {  	[smem:$0x3F9F] =	sst s0  }
0x9: {  	[smem:$0x3FA0] =	sst s1  }
0xa: {  	[smem:$0x3FA1] =	sst s2  }
0xb: {  	[smem:$0x3FA2] =	sst s3  }
0xc: {  	[smem:$0x3FA3] =	sst s4  }
0xd: {  	[smem:$0x3FA4] =	sst s5  }
0xe: {  	[smem:$0x3FA5] =	sst s6  }
0xf: {  	[smem:$0x3FA6] =	sst s7  }
0x10: {  	[smem:$0x3FA7] =	sst s8  }
0x11: {  	[smem:$0x3FA8] =	sst s9;
	s0 =	simm.s32 @!p0 $0x0  }
0x12: {  	s1 =	sld [smem:$0x3F8E];
	s0 =	simm.s32 @p0 $0x1  }
0x13: {  	[smem:$0x3FA9] =	sst s0;
	s0 =	simm.s32 @!p1 $0x0  }
0x14: {  	s2 =	sld [smem:$0x3F8D];
	s0 =	simm.s32 @p1 $0x1  }
0x15: {  	[smem:$0x3FAA] =	sst s0;
	s0 =	simm.s32 @!p2 $0x0  }
0x16: {  	s3 =	sld [smem:$0x3FDB];
	s0 =	simm.s32 @p2 $0x1  }
0x17: {  	s4 =	simm.s32 $0x1BF5;
	[smem:$0x3FAC] =	sst s0  }
0x18: {  	s0 =	sld [smem:$0x3F8F];
	_ =	swait.ge [sflag:s4], $0x0  }
0x19: {  	s7 =	sld [smem:$0x3F90]  }
0x1a: {  	s8 =	sadd.s32 $0xFFFFE003, lr  }
0x1b: {  	s9 =	sadd.s32 $0xFFFFFEF7, lr;
	s5 =	simm.s32 $0xFFFFFFFF;
	p2 =	slt.u32 s8, $0xFFFFF086  }
0x1c: {  	p1 =	slt.u32 s9, $0xF7A;
	s5 =	simm.s32 @!p2 $0x0  }
0x1d: {  	s5 =	simm.s32 @p1 $0x1;
	p0 =	seq.s32 s7, s2  }
0x1e: {  	s7 =	smul.u32 @!p0 $0xF7A, s2;
	p2 =	seq.s32 @!p0 s5, $0x0  }
0x1f: {  	s9 =	smul.u32 $0xF7A, s1;
	s8 =	simm.s32 @!p0 $0x1BF5;
	p2 =	por !p2, p0  }
0x20: {  	[sflag:s8] =	ssyncset.s32 @!p0 $0xFFFFF086;
	s6 =	sadd.s32 @!p0 s3, s7;
	s7 =	simm.s32 @!p0 $0x108  }
0x21: {  	s3 =	sadd.s32 s3, s9;
	s6 =	sadd.s32 @!p0 $0x88, s6;
	s7 =	simm.s32 @p2 $0x1082  }
0x22: {  	[simem:s7], [sflag:s8] =	dma.local @!p0 [hbm:s6], $0xF7A  }
0x23: {  	s9 =	sor.u32 $0xD0000000, s2;
	s6 =	simm.s32 $0x108;
	_ =	swait.ge @!p0 [sflag:s8], $0x0  }
0x24: {  	s3 =	sadd.s32 $0x88, s3;
	s6 =	simm.s32 @!p1 $0x1082;
	[sflag:s4] =	ssyncset.s32 $0xFFFFF086  }
0x25: {  	[simem:s6], [sflag:s4] =	dma.local [hbm:s3], $0xF7A  }
0x26: {  	[smem:$0x3F90] =	sst s1;
	(tag) =	ssettag s2;
	_ =	strace s9  }
0x27: {  	s1 =	sld [smem:$0x3FA0]  }
0x28: {  	s2 =	sld [smem:$0x3FA1]  }
0x29: {  	s4 =	sld [smem:$0x3FA3]  }
0x2a: {  	p0 =	seq.s32 s5, $0x0;
	s5 =	sld [smem:$0x3FA4]  }
0x2b: {  	s6 =	sld [smem:$0x3FA5]  }
0x2c: {  	s7 =	sld [smem:$0x3FA6]  }
0x2d: {  	s3 =	simm.s32 $0x108;
	s8 =	sld [smem:$0x3FA7]  }
0x2e: {  	s3 =	simm.s32 @!p0 $0x1082;
	s9 =	sld [smem:$0x3FA8]  }
0x2f: {  	lr =	sadd.s32 s0, s3;
	s0 =	sld [smem:$0x3F9F]  }
0x30: {  	s3 =	sld [smem:$0x3FA2]  }
0x31: {  	[smem:$0x3FAB] =	sst s10  }
0x32: {  	s10 =	sld [smem:$0x3FA9];
	_ =	sdelay $0x3  }
0x33: {  	p0 =	seq.s32 s10, $0x1;
	s10 =	sld [smem:$0x3FAB];
	_ =	sdelay $0x3  }
0x34: {  	[smem:$0x3FAB] =	sst s10  }
0x35: {  	s10 =	sld [smem:$0x3FAA];
	_ =	sdelay $0x3  }
0x36: {  	p1 =	seq.s32 s10, $0x1;
	s10 =	sld [smem:$0x3FAB];
	_ =	sdelay $0x3  }
0x37: {  	[smem:$0x3FAB] =	sst s10  }
0x38: {  	s10 =	sld [smem:$0x3FAC]  }
0x39: {  	_ = 	snop;
	(pc) =	sbr.ind lr, $3  }
0x3a: {  	_ = 	snop  }
0x3b: {  	_ = 	snop  }
0x3c: {  	p2 =	seq.s32 s10, $0x1;
	s10 =	sld [smem:$0x3FAB]  }
0x3d: {  	_ =	shalt  }
0x3e: {  	_ =	shalt  }
0x3f: {  	_ =	shalt  }
0x40: {  	_ =	shalt  }
0x41: {  	_ =	shalt  }
0x42: {  	_ =	shalt  }
0x43: {  	_ =	shalt  }
0x44: {  	_ =	shalt  }
0x45: {  	_ =	shalt  }
0x46: {  	_ =	shalt  }
0x47: {  	_ =	shalt  }
0x48: {  	_ =	shalt  }
0x49: {  	_ =	shalt  }
0x4a: {  	_ =	shalt  }
0x4b: {  	_ =	shalt  }
0x4c: {  	_ =	shalt  }
0x4d: {  	_ =	shalt  }
0x4e: {  	_ =	shalt  }
0x4f: {  	_ =	shalt  }
0x50: {  	_ =	shalt  }
0x51: {  	_ =	shalt  }
0x52: {  	_ =	shalt  }
0x53: {  	_ =	shalt  }
0x54: {  	_ =	shalt  }
0x55: {  	_ =	shalt  }
0x56: {  	_ =	shalt  }
0x57: {  	_ =	shalt  }
0x58: {  	_ =	shalt  }
0x59: {  	_ =	shalt  }
0x5a: {  	_ =	shalt  }
0x5b: {  	_ =	shalt  }
0x5c: {  	_ =	shalt  }
0x5d: {  	_ =	shalt  }
0x5e: {  	_ =	shalt  }
0x5f: {  	_ =	shalt  }
0x60: {  	_ =	shalt  }
0x61: {  	_ =	shalt  }
0x62: {  	_ =	shalt  }
0x63: {  	_ =	shalt  }
0x64: {  	_ =	shalt  }
0x65: {  	_ =	shalt  }
0x66: {  	_ =	shalt  }
0x67: {  	_ =	shalt  }
0x68: {  	_ =	shalt  }
0x69: {  	_ =	shalt  }
0x6a: {  	_ =	shalt  }
0x6b: {  	_ =	shalt  }
0x6c: {  	_ =	shalt  }
0x6d: {  	_ =	shalt  }
0x6e: {  	_ =	shalt  }
0x6f: {  	_ =	shalt  }
0x70: {  	_ =	shalt  }
0x71: {  	_ =	shalt  }
0x72: {  	_ =	shalt  }
0x73: {  	_ =	shalt  }
0x74: {  	_ =	shalt  }
0x75: {  	_ =	shalt  }
0x76: {  	_ =	shalt  }
0x77: {  	_ =	shalt  }
0x78: {  	_ =	shalt  }
0x79: {  	_ =	shalt  }
0x7a: {  	_ =	shalt  }
0x7b: {  	_ =	shalt  }
0x7c: {  	_ =	shalt  }
0x7d: {  	_ =	shalt  }
0x7e: {  	_ =	shalt  }
0x7f: {  	_ =	shalt  }
0x80: {  	_ =	shalt  }
0x81: {  	_ =	shalt  }
0x82: {  	_ =	shalt  }
0x83: {  	_ =	shalt  }
0x84: {  	_ =	shalt  }
0x85: {  	_ =	shalt  }
0x86: {  	_ =	shalt  }
0x87: {  	_ =	shalt  }
.Lfunc_end0:
.L_simem_size_0:
called_computation_lowered:
.L_overlay_start_0:
0x88: {  	s2 =	sld [smem:$0x3FD9]  }
0x89: {  	s3 =	sld [smem:$0x3FFE];
	_ =	sdelay $0x1  }
0x8a: {  	s1 =	srdreg.scid  }
0x8b: {  	s0 =	sand.u32 $0x1, s1  }
0x8c: {  	s16 =	sshll.u32 s0, $0xA;
	s2 =	sadd.s32 s3, s2  }
0x8d: {  	s2 =	sadd.s32 s2, s16  }
0x8e: {  	[smem:$0x3FB7] =	sst s2  }
0x8f: {  	_ = 	snop  }
0x90: {  	(tm) =	ssettm $0x1  }
0x91: {  	s17 =	sld [smem:$0x3FFB];
	_ =	sdelay $0x3  }
0x92: {  	_ =	strace s17  }
0x93: {  	s2 =	sld [smem:$0x3FFC];
	_ =	sdelay $0x3  }
0x94: {  	_ =	strace s2  }
0x95: {  	s2 =	sld [smem:$0x3FFD];
	_ =	sdelay $0x3  }
0x96: {  	_ =	strace s2  }
0x97: {  	_ =	strace $0x8FFFFFFF  }
0x98: {  	s18 =	sld [smem:$0x3FDB];
	_ =	sdelay $0x1  }
0x99: {  	s19 =	simm.s32 $_scs_section_size  }
0x9a: {  	s4 =	simm.s32 $_size__tile_overlayer_lowered;
	s5 =	simm.s32 $_tile_overlayer_lowered  }
0x9b: {  	s22 =	simm.s32 $0x1BFF;
	s21 =	sshll.u32 s5, $0x1;
	s2 =	sadd.s32 s19, s18  }
0x9c: {  	s6 =	simm.s32 $0x0;
	s20 =	sshll.u32 s4, $0x1;
	s4 =	sadd.s32 s21, s2  }
0x9d: {  	[timem:s6], [sflag:s22] =	dma.local [hbm:s4], s20  }
0x9e: {  	_ =	swait.ge [sflag:s22], s20  }
0x9f: {  	s3 =	ssub.s32 $0x0, s20;
	[sflag:s22] =	ssyncset.done $0x0  }
0xa0: {  	[sflag:s22] =	ssyncadd.s32 s3;
	_ =	sdelay $0x1  }
0xa1: {  	s23 =	simm.s32 $0x1B8B  }
0xa2: {  	_ =	swait.ge [sflag:s23], $0x1  }
0xa3: {  	[sflag:s23] =	ssyncset.done $0x0  }
0xa4: {  	s25 =	simm.s32 $0x1B8E;
	s24 =	sld [smem:$0x3FFE];
	[sflag:s23] =	ssyncadd.s32 $0xFFFFFFFF  }
0xa5: {  	s26 =	simm.s32 $execute0_lowered;
	[smem:$0x3FD2] =	sst s25  }
0xa6: {  	s4 =	sshll.u32 s26, $0x1;
	_ =	strace $0x80000046;
	[dreg:$0x1] =	wrdreg $0xFFFFFFFF  }
0xa7: {  	s28 =	simm.s32 $_size_execute0_lowered;
	s2 =	sadd.s32 s2, s4;
	[dreg:$0x0] =	wrdreg $0x0  }
0xa8: {  	s4 =	sshll.u32 s28, $0x1;
	[dreg:$0x2] =	wrdreg s2  }
0xa9: {  	[dreg:$0x3] =	wrdreg s4  }
0xaa: {  	[dreg:$0x4] =	wrdreg $0xC0  }
0xab: {  	_ =	task [dreg:s6], $0x5FFFF  }
0xac: {  	[dreg:$0x1] =	wrdreg $0xFFFFFFFF  }
0xad: {  	[dreg:$0x0] =	wrdreg $0x60  }
0xae: {  	[dreg:$0x2] =	wrdreg s24  }
0xaf: {  	[dreg:$0x3] =	wrdreg $0x77800  }
0xb0: {  	[dreg:$0x4] =	wrdreg $0x9  }
0xb1: {  	_ =	task.clear_ibuf [dreg:s6], $0x5FFFF;
	_ =	strace $0x90000046  }
0xb2: {  	s29 =	simm.s32 $0x9;
	_ =	strace $0x80000048  }
0xb3: {  	_ =	swait.ge [sflag:s29], $0x1  }
0xb4: {  	[sflag:s29] =	ssyncadd.s32 $0xFFFFFFFF  }
0xb5: {  	_ =	strace $0x90000048  }
0xb6: {  	_ =	sfence  }
0xb7: {  	s30 =	sld [smem:$0x0];
	_ =	sdelay $0x2  }
0xb8: {  	s31 =	sshll.u32 s1, $0xD;
	s1 =	sshrl.u32 s1, $0x2  }
0xb9: {  	s3 =	sand.u32 $0x4000, s31;
	s1 =	sadd.s32 s1, s30  }
0xba: {  	s0 =	sor.u32 s3, s0;
	s1 =	sshll.u32 s1, $0x11  }
0xbb: {  	s0 =	sor.u32 s1, s0  }
0xbc: {  	s0 =	sadd.s32 $0x8F2B, s0  }
0xbd: {  	[sflag:s0] =	ssyncadd.remote.s32 $0x1  }
0xbe: {  	_ =	sfence.sel $0xFFFF  }
0xbf: {  	[dreg:$0x0] =	wrdreg $0xFFFFFFFF;
	(pc) =	sbr.abs _section_cstart, $3  }
0xc0: {  	[dreg:$0x1] =	wrdreg $0xFFFFFFFF  }
0xc1: {  	_ =	task.clear_ibuf [dreg:s6], $0x2FFFF;
	_ =	strace $0x9FFFFFFF  }
0xc2: {  	(tm) =	ssettm $0x7FFFFFFF  }
0xc3: {  	_ =	shalt  }
tec
execute0_lowered:
.L_overlay_start_1:
0x0: {  	(tag) =	ssettag $0x1  }
0x1: {  	s5 =	rddreg [dreg:$0x0]  }
0x2: {  	s7 =	rddreg [dreg:$0x1]  }
0x3: {  	s0 =	srdreg.scid;
	s1 =	rddreg [dreg:$0x2]  }
0x4: {  	s2 =	simm.s32 $0x0;
	s10 =	simm.s32 $0x80;
	s11 =	simm.s32 $0x400  }
0x5: {  	s12 =	simm.s32 $0x1400;
	s13 =	simm.s32 $0x14000;
	s3 =	sand.u32 $0x1, s0  }
0x6: {  	s14 =	simm.s32 $0x4F80;
	s0 =	stileid.u32;
	s4 =	smul.u32 $0x27800, s3  }
0x7: {  	s15 =	simm.s32 $0x100;
	[smem:$0x7FF] =	sst s2;
	s6 =	smul.u32 $0x2780, s0  }
0x8: {  	s28 =	smul.u32 $0x500, s0;
	_ =	strace $0x80000047;
	s8 =	sshll.u32 s3, $0x7  }
0x9: {  	s3 =	ssub.s32 $0x2, s3;
	s29 =	sshrl.u32 s0, $0x3;
	s30 =	smul.u32 $0x5000, s0  }
0xa: {  	s31 =	sshll.u32 s0, $0x7;
	s9 =	sshrl.u32 s3, $0x1;
	s4 =	sadd.s32 s6, s4  }
0xb: {  	s6 =	sor.u32 s8, s28;
	s8 =	smul.u32 $0x50000, s29;
	s4 =	sshrl.u32 s4, $0x3  }
0xc: {  	s9 =	ssub.s32 s3, s9;
	s6 =	sshrl.u32 s6, $0x3;
	s4 =	sadd.s32 s4, s5  }
0xd: {  	s6 =	sadd.s32 s6, s5;
	s8 =	sshrl.u32 s8, $0x2;
	s5 =	sshrl.u32 s30, $0x2  }
0xe: {  	s3 =	sadd.s32 $0x4C00, s4;
	s4 =	sand.u32 $0x380, s31;
	s8 =	sadd.s32 s8, s7  }
0xf: {  	s5 =	sadd.s32 s5, s7;
	s6 =	sadd.s32 $0xEA00, s6;
	s7 =	smax.u32 s9, $0x1  }
0x10: {  	v0 =	vimm.f32 $0.0e+00;
	v1 =	vimm.f32 $1.000000000e+00;
	s9 =	simm.s32 $0x2780;
	s4 =	sadd.s32 s4, s8;
	s8 =	simm.s32 $0x1  }
.LBB2_1:
0x11: {  	s16 =	simm.s32 $0x40;
	s17 =	simm.s32 $0x0  }
.LBB2_2:
0x12: {  	p0 =	sne.s32 s16, $0x9FC0;
	[tilespmem:s17+$0x2780] =	vst v0;
	s17 =	smov.u32 s16;
	s16 =	sadd.s32 $0x40, s16  }
.Ltmp0:
0x13: {  	(pc) =	sbr.rel @p0 .LBB2_2-.Ltmp0, $2  }
0x14: {  	_ =	sdelay $0x2  }
0x15: {  	s17 =	sshra.s32 s17, $0x2  }
0x16: {  	[tilespmem:s17+$0x2780] =	vst v0;
	s16 =	simm.s32 $0x0  }
0x17: {  	[tilespmem:s16], [sflag:$0x1] =	stream.linear.gather [hbm4b:s3+s16], $0x2780, $0x38;
	[tilespmem:$0x9F80] =	vst v63  }
0x18: {  	_ =	swait.ge [sflag:s8], $0x2780  }
0x19: {  	[sflag:s8] =	ssyncset.done $0x0  }
0x1a: {  	s17 =	simm.s32 $0x0;
	s16 =	simm.s32 $0x40;
	[sflag:s8] =	ssyncadd.s32 $0xFFFFD880  }
.LBB2_4:
0x1b: {  	p0 =	sne.s32 s16, $0x9DC0;
	v2 =	vld [tilespmem:s17+$0x0];
	_ =	sdelay $0x3  }
.Ltmp1:
0x1c: {  	(pc) =	sbr.rel @p0 .LBB2_4-.Ltmp1, $2  }
0x1d: {  	_ =	sdelay $0x2  }
0x1e: {  	s17 =	sshra.s32 s16, $0x2;
	s16 =	sadd.s32 $0x40, s16;
	[tilespmem:v2+s9+$0x0] =	vst.idx.add.f32.msk $0xffff, v1  }
0x1f: {  	v2 =	vld [tilespmem:s17+$0x0];
	_ =	sdelay $0x7  }
0x20: {  	s16 =	simm.s32 $0x2780;
	[tilespmem:v2+s9+$0x0] =	vst.idx.add.f32.msk $0xffff, v1  }
0x21: {  	[spmem:s4] =	stream.strided.scatter [tilespmem:s16], [sflag:$0x1], $0x2800, s11, s10, $0x38;
	[tilespmem:$0x9F80] =	vst v63  }
0x22: {  	_ =	swait.ge [sflag:s8], $0x2800  }
0x23: {  	[sflag:s8] =	ssyncset.done $0x0  }
0x24: {  	[sflag:s8] =	ssyncadd.s32 $0xFFFFD800  }
0x25: {  	[bflag:$0x0] =	sbarrier.arrive $0xFFFF  }
0x26: {  	[tilespmem:s14], [sflag:$0x1] =	stream.strided.gather [spmem:s5], $0x2800, s13, s12, $0x38;
	[tilespmem:$0x9F80] =	vst v63  }
0x27: {  	s30 =	simm.s32 $0x0;
	_ =	swait.ge [sflag:s8], $0x2800  }
0x28: {  	s18 =	sand.u32 $0x70, s30;
	s17 =	sand.u32 $0x1C00, s30;
	[sflag:s8] =	ssyncset.done $0x0  }
0x29: {  	s17 =	sor.u32 s18, s17;
	[sflag:s8] =	ssyncadd.s32 $0xFFFFD800  }
0x2a: {  	v2 =	vld [tilespmem:s17+$0x5000]  }
0x2b: {  	v3 =	vld [tilespmem:s17+$0x4F80];
	_ =	sdelay $0x1  }
0x2c: {  	v4 =	vld [tilespmem:s17+$0x5080];
	_ =	sdelay $0x1  }
0x2d: {  	v5 =	vld [tilespmem:s17+$0x5100]  }
0x2e: {  	v2 =	vadd.f32 v2, v3  }
0x2f: {  	v3 =	vld [tilespmem:s17+$0x5180]  }
0x30: {  	v2 =	vadd.f32 v4, v2  }
0x31: {  	v56 =	vld [tilespmem:s17+$0x5200]  }
0x32: {  	v2 =	vadd.f32 v5, v2  }
0x33: {  	v57 =	vld [tilespmem:s17+$0x5280]  }
0x34: {  	v2 =	vadd.f32 v3, v2  }
0x35: {  	v3 =	vld [tilespmem:s17+$0x5300]  }
0x36: {  	v2 =	vadd.f32 v56, v2  }
0x37: {  	v58 =	vld [tilespmem:s17+$0x6380]  }
0x38: {  	v2 =	vadd.f32 v57, v2  }
0x39: {  	v59 =	vld [tilespmem:s17+$0x6400]  }
0x3a: {  	v2 =	vadd.f32 v3, v2  }
0x3b: {  	v3 =	vld [tilespmem:s17+$0x6480]  }
0x3c: {  	v2 =	vadd.f32 v58, v2  }
0x3d: {  	v60 =	vld [tilespmem:s17+$0x6500]  }
0x3e: {  	v2 =	vadd.f32 v59, v2  }
0x3f: {  	v61 =	vld [tilespmem:s17+$0x6580]  }
0x40: {  	v2 =	vadd.f32 v3, v2  }
0x41: {  	v3 =	vld [tilespmem:s17+$0x6600]  }
0x42: {  	v2 =	vadd.f32 v60, v2  }
0x43: {  	v62 =	vld [tilespmem:s17+$0x6680]  }
0x44: {  	v2 =	vadd.f32 v61, v2  }
0x45: {  	v63 =	vld [tilespmem:s17+$0x6700]  }
0x46: {  	v2 =	vadd.f32 v3, v2;
	_ =	sdelay $0x1  }
0x47: {  	v2 =	vadd.f32 v62, v2;
	_ =	sdelay $0x1  }
0x48: {  	s31 =	simm.s32 $0x10;
	s18 =	simm.s32 $0x80;
	v2 =	vadd.f32 v63, v2  }
0x49: {  	s19 =	sand.u32 $0x1C00, s18;
	s17 =	sand.u32 $0x70, s31  }
0x4a: {  	s17 =	sor.u32 s17, s19;
	s19 =	simm.s32 $0x20;
	[tilespmem:s16+$0x0] =	vst v2  }
.LBB2_6:
0x4b: {  	p0 =	sne.s32 s19, $0x270;
	v2 =	vld [tilespmem:s17+$0x5000]  }
0x4c: {  	v3 =	vld [tilespmem:s17+$0x4F80];
	_ =	sdelay $0x1  }
0x4d: {  	v4 =	vld [tilespmem:s17+$0x5080];
	_ =	sdelay $0x1  }
0x4e: {  	v5 =	vld [tilespmem:s17+$0x5100]  }
0x4f: {  	v2 =	vadd.f32 v2, v3  }
0x50: {  	v3 =	vld [tilespmem:s17+$0x5180]  }
0x51: {  	v2 =	vadd.f32 v4, v2  }
0x52: {  	v4 =	vld [tilespmem:s17+$0x5200]  }
0x53: {  	v2 =	vadd.f32 v5, v2  }
0x54: {  	v5 =	vld [tilespmem:s17+$0x5280]  }
0x55: {  	v2 =	vadd.f32 v3, v2  }
0x56: {  	v3 =	vld [tilespmem:s17+$0x5300]  }
0x57: {  	v2 =	vadd.f32 v4, v2  }
0x58: {  	v4 =	vld [tilespmem:s17+$0x6380]  }
0x59: {  	v2 =	vadd.f32 v5, v2  }
0x5a: {  	v5 =	vld [tilespmem:s17+$0x6400]  }
0x5b: {  	v2 =	vadd.f32 v3, v2  }
0x5c: {  	v3 =	vld [tilespmem:s17+$0x6480]  }
0x5d: {  	v2 =	vadd.f32 v4, v2  }
0x5e: {  	v4 =	vld [tilespmem:s17+$0x6500]  }
0x5f: {  	v2 =	vadd.f32 v5, v2  }
0x60: {  	v5 =	vld [tilespmem:s17+$0x6580]  }
0x61: {  	v2 =	vadd.f32 v3, v2  }
0x62: {  	v3 =	vld [tilespmem:s17+$0x6600]  }
0x63: {  	v2 =	vadd.f32 v4, v2  }
0x64: {  	v4 =	vld [tilespmem:s17+$0x6680]  }
0x65: {  	v2 =	vadd.f32 v5, v2  }
0x66: {  	v5 =	vld [tilespmem:s17+$0x6700]  }
0x67: {  	v2 =	vadd.f32 v3, v2;
	_ =	sdelay $0x1  }
.Ltmp2:
0x68: {  	v2 =	vadd.f32 v4, v2;
	(pc) =	sbr.rel @p0 .LBB2_6-.Ltmp2, $4  }
0x69: {  	_ = 	snop  }
0x6a: {  	s18 =	sadd.s32 $0x80, s18;
	v2 =	vadd.f32 v5, v2  }
0x6b: {  	s16 =	sadd.s32 $0x10, s16;
	s20 =	sand.u32 $0x1C00, s18;
	s17 =	sand.u32 $0x70, s19  }
0x6c: {  	s19 =	sadd.s32 $0x10, s19;
	s17 =	sor.u32 s17, s20;
	[tilespmem:s16+$0x0] =	vst v2  }
0x6d: {  	v2 =	vld [tilespmem:s17+$0x5000]  }
0x6e: {  	v3 =	vld [tilespmem:s17+$0x4F80];
	_ =	sdelay $0x1  }
0x6f: {  	v4 =	vld [tilespmem:s17+$0x5080];
	_ =	sdelay $0x1  }
0x70: {  	v5 =	vld [tilespmem:s17+$0x5100]  }
0x71: {  	v2 =	vadd.f32 v2, v3  }
0x72: {  	v3 =	vld [tilespmem:s17+$0x5180]  }
0x73: {  	v2 =	vadd.f32 v4, v2  }
0x74: {  	v56 =	vld [tilespmem:s17+$0x5200]  }
0x75: {  	v2 =	vadd.f32 v5, v2  }
0x76: {  	v57 =	vld [tilespmem:s17+$0x5280]  }
0x77: {  	v2 =	vadd.f32 v3, v2  }
0x78: {  	v3 =	vld [tilespmem:s17+$0x5300]  }
0x79: {  	v2 =	vadd.f32 v56, v2  }
0x7a: {  	v58 =	vld [tilespmem:s17+$0x6380]  }
0x7b: {  	v2 =	vadd.f32 v57, v2  }
0x7c: {  	v59 =	vld [tilespmem:s17+$0x6400]  }
0x7d: {  	v2 =	vadd.f32 v3, v2  }
0x7e: {  	v3 =	vld [tilespmem:s17+$0x6480]  }
0x7f: {  	v2 =	vadd.f32 v58, v2  }
0x80: {  	v60 =	vld [tilespmem:s17+$0x6500]  }
0x81: {  	v2 =	vadd.f32 v59, v2  }
0x82: {  	v61 =	vld [tilespmem:s17+$0x6580]  }
0x83: {  	v2 =	vadd.f32 v3, v2  }
0x84: {  	v3 =	vld [tilespmem:s17+$0x6600]  }
0x85: {  	v2 =	vadd.f32 v60, v2  }
0x86: {  	v62 =	vld [tilespmem:s17+$0x6680]  }
0x87: {  	v2 =	vadd.f32 v61, v2  }
0x88: {  	v63 =	vld [tilespmem:s17+$0x6700]  }
0x89: {  	v2 =	vadd.f32 v3, v2;
	_ =	sdelay $0x1  }
0x8a: {  	v2 =	vadd.f32 v62, v2;
	_ =	sdelay $0x1  }
0x8b: {  	s2 =	sadd.s32 $0x1, s2;
	v2 =	vadd.f32 v63, v2  }
0x8c: {  	s16 =	sadd.s32 $0x10, s16;
	p0 =	sne.s32 s2, s7  }
.Ltmp3:
0x8d: {  	[tilespmem:s16+$0x0] =	vst v2;
	(pc) =	sbr.rel @p0 .LBB2_1-.Ltmp3, $4  }
0x8e: {  	[hbm4b:s6+s10] =	stream.strided.scatter [tilespmem:s9], [sflag:$0x1], $0x280, s15, s10, $0x38;
	[tilespmem:$0x9F80] =	vst v63  }
0x8f: {  	_ =	swait.ge [sflag:s8], $0x280  }
0x90: {  	[sflag:s8] =	ssyncset.done $0x0  }
0x91: {  	[sflag:s8] =	ssyncadd.s32 $0xFFFFFD80  }
0x92: {  	_ =	sfence.sel $0x180000  }
0x93: {  	[bflag:$0x0] =	sbarrier.arrive $0xFFFF  }
0x94: {  	p0 =	sne.s32 s0, $0x0;
	_ =	strace $0x90000047  }
0x95: {  	s0 =	sadd.s32 @!p0 $0x100000, s1;
	[bflag:$0x2] =	sbarrier.arrive $0xFFFF  }
0x96: {  	[sflag:s0] =	ssyncadd.tile.s32 @!p0 $0x1;
	_ =	shalt  }
.Lfunc_end2:
_tile_overlayer_lowered:
.L_overlay_start_2:
0x97: {  	(tag) =	ssettag $0x2  }
0x98: {  	s0 =	rddreg [dreg:$0x0];
	s2 =	stileid.u32  }
0x99: {  	s1 =	rddreg [dreg:$0x1];
	p0 =	sne.s32 s2, $0x0  }
0x9a: {  	s3 =	rddreg [dreg:$0x2];
	[bflag:$0x3] =	sbarrier.arrive $0xFFFF;
	s2 =	simm.s32 @!p0 $0x1C01  }
0x9b: {  	[timem:s3], [sflag:s2] =	dma.local @!p0 [hbm:s0], s1  }
0x9c: {  	s0 =	simm.s32 @!p0 $0x1  }
0x9d: {  	_ =	swait.ge @!p0 [sflag:s0], s1  }
0x9e: {  	s1 =	ssub.s32 @!p0 $0x0, s1;
	[sflag:s0] =	ssyncset.done @!p0 $0x0  }
0x9f: {  	[sflag:s0] =	ssyncadd.s32 @!p0 s1  }
0xa0: {  	[bflag:$0x3] =	sbarrier.arrive $0xFFFF  }
0xa1: {  	_ =	shalt  }

// kernel: kernel.14.cloned.1.call-start
scs
__scs_entry_jumppad:
0x0: {  	(pc) =	sbr.rel $0x88, $3  }
0x1: {  	(tag) =	ssettag $0x0;
	lr =	simm.s32 $0x1  }
0x2: {  	[smem:$0x3F90] =	sst lr;
	_ =	strace $0xD0000000  }
0x3: {  	_ = 	snop  }
0x4: {  	_ = 	snop  }
0x5: {  	_ = 	snop  }
0x6: {  	_ = 	snop  }
0x7: {  	_ = 	snop  }
__scs_overlays_trampoline_lowered:
0x8: {  	[smem:$0x3F9F] =	sst s0  }
0x9: {  	[smem:$0x3FA0] =	sst s1  }
0xa: {  	[smem:$0x3FA1] =	sst s2  }
0xb: {  	[smem:$0x3FA2] =	sst s3  }
0xc: {  	[smem:$0x3FA3] =	sst s4  }
0xd: {  	[smem:$0x3FA4] =	sst s5  }
0xe: {  	[smem:$0x3FA5] =	sst s6  }
0xf: {  	[smem:$0x3FA6] =	sst s7  }
0x10: {  	[smem:$0x3FA7] =	sst s8  }
0x11: {  	[smem:$0x3FA8] =	sst s9;
	s0 =	simm.s32 @!p0 $0x0  }
0x12: {  	s1 =	sld [smem:$0x3F8E];
	s0 =	simm.s32 @p0 $0x1  }
0x13: {  	[smem:$0x3FA9] =	sst s0;
	s0 =	simm.s32 @!p1 $0x0  }
0x14: {  	s2 =	sld [smem:$0x3F8D];
	s0 =	simm.s32 @p1 $0x1  }
0x15: {  	[smem:$0x3FAA] =	sst s0;
	s0 =	simm.s32 @!p2 $0x0  }
0x16: {  	s3 =	sld [smem:$0x3FDB];
	s0 =	simm.s32 @p2 $0x1  }
0x17: {  	s4 =	simm.s32 $0x1BF5;
	[smem:$0x3FAC] =	sst s0  }
0x18: {  	s0 =	sld [smem:$0x3F8F];
	_ =	swait.ge [sflag:s4], $0x0  }
0x19: {  	s7 =	sld [smem:$0x3F90]  }
0x1a: {  	s8 =	sadd.s32 $0xFFFFE003, lr  }
0x1b: {  	s9 =	sadd.s32 $0xFFFFFEF7, lr;
	s5 =	simm.s32 $0xFFFFFFFF;
	p2 =	slt.u32 s8, $0xFFFFF086  }
0x1c: {  	p1 =	slt.u32 s9, $0xF7A;
	s5 =	simm.s32 @!p2 $0x0  }
0x1d: {  	s5 =	simm.s32 @p1 $0x1;
	p0 =	seq.s32 s7, s2  }
0x1e: {  	s7 =	smul.u32 @!p0 $0xF7A, s2;
	p2 =	seq.s32 @!p0 s5, $0x0  }
0x1f: {  	s9 =	smul.u32 $0xF7A, s1;
	s8 =	simm.s32 @!p0 $0x1BF5;
	p2 =	por !p2, p0  }
0x20: {  	[sflag:s8] =	ssyncset.s32 @!p0 $0xFFFFF086;
	s6 =	sadd.s32 @!p0 s3, s7;
	s7 =	simm.s32 @!p0 $0x108  }
0x21: {  	s3 =	sadd.s32 s3, s9;
	s6 =	sadd.s32 @!p0 $0x88, s6;
	s7 =	simm.s32 @p2 $0x1082  }
0x22: {  	[simem:s7], [sflag:s8] =	dma.local @!p0 [hbm:s6], $0xF7A  }
0x23: {  	s9 =	sor.u32 $0xD0000000, s2;
	s6 =	simm.s32 $0x108;
	_ =	swait.ge @!p0 [sflag:s8], $0x0  }
0x24: {  	s3 =	sadd.s32 $0x88, s3;
	s6 =	simm.s32 @!p1 $0x1082;
	[sflag:s4] =	ssyncset.s32 $0xFFFFF086  }
0x25: {  	[simem:s6], [sflag:s4] =	dma.local [hbm:s3], $0xF7A  }
0x26: {  	[smem:$0x3F90] =	sst s1;
	(tag) =	ssettag s2;
	_ =	strace s9  }
0x27: {  	s1 =	sld [smem:$0x3FA0]  }
0x28: {  	s2 =	sld [smem:$0x3FA1]  }
0x29: {  	s4 =	sld [smem:$0x3FA3]  }
0x2a: {  	p0 =	seq.s32 s5, $0x0;
	s5 =	sld [smem:$0x3FA4]  }
0x2b: {  	s6 =	sld [smem:$0x3FA5]  }
0x2c: {  	s7 =	sld [smem:$0x3FA6]  }
0x2d: {  	s3 =	simm.s32 $0x108;
	s8 =	sld [smem:$0x3FA7]  }
0x2e: {  	s3 =	simm.s32 @!p0 $0x1082;
	s9 =	sld [smem:$0x3FA8]  }
0x2f: {  	lr =	sadd.s32 s0, s3;
	s0 =	sld [smem:$0x3F9F]  }
0x30: {  	s3 =	sld [smem:$0x3FA2]  }
0x31: {  	[smem:$0x3FAB] =	sst s10  }
0x32: {  	s10 =	sld [smem:$0x3FA9];
	_ =	sdelay $0x3  }
0x33: {  	p0 =	seq.s32 s10, $0x1;
	s10 =	sld [smem:$0x3FAB];
	_ =	sdelay $0x3  }
0x34: {  	[smem:$0x3FAB] =	sst s10  }
0x35: {  	s10 =	sld [smem:$0x3FAA];
	_ =	sdelay $0x3  }
0x36: {  	p1 =	seq.s32 s10, $0x1;
	s10 =	sld [smem:$0x3FAB];
	_ =	sdelay $0x3  }
0x37: {  	[smem:$0x3FAB] =	sst s10  }
0x38: {  	s10 =	sld [smem:$0x3FAC]  }
0x39: {  	_ = 	snop;
	(pc) =	sbr.ind lr, $3  }
0x3a: {  	_ = 	snop  }
0x3b: {  	_ = 	snop  }
0x3c: {  	p2 =	seq.s32 s10, $0x1;
	s10 =	sld [smem:$0x3FAB]  }
0x3d: {  	_ =	shalt  }
0x3e: {  	_ =	shalt  }
0x3f: {  	_ =	shalt  }
0x40: {  	_ =	shalt  }
0x41: {  	_ =	shalt  }
0x42: {  	_ =	shalt  }
0x43: {  	_ =	shalt  }
0x44: {  	_ =	shalt  }
0x45: {  	_ =	shalt  }
0x46: {  	_ =	shalt  }
0x47: {  	_ =	shalt  }
0x48: {  	_ =	shalt  }
0x49: {  	_ =	shalt  }
0x4a: {  	_ =	shalt  }
0x4b: {  	_ =	shalt  }
0x4c: {  	_ =	shalt  }
0x4d: {  	_ =	shalt  }
0x4e: {  	_ =	shalt  }
0x4f: {  	_ =	shalt  }
0x50: {  	_ =	shalt  }
0x51: {  	_ =	shalt  }
0x52: {  	_ =	shalt  }
0x53: {  	_ =	shalt  }
0x54: {  	_ =	shalt  }
0x55: {  	_ =	shalt  }
0x56: {  	_ =	shalt  }
0x57: {  	_ =	shalt  }
0x58: {  	_ =	shalt  }
0x59: {  	_ =	shalt  }
0x5a: {  	_ =	shalt  }
0x5b: {  	_ =	shalt  }
0x5c: {  	_ =	shalt  }
0x5d: {  	_ =	shalt  }
0x5e: {  	_ =	shalt  }
0x5f: {  	_ =	shalt  }
0x60: {  	_ =	shalt  }
0x61: {  	_ =	shalt  }
0x62: {  	_ =	shalt  }
0x63: {  	_ =	shalt  }
0x64: {  	_ =	shalt  }
0x65: {  	_ =	shalt  }
0x66: {  	_ =	shalt  }
0x67: {  	_ =	shalt  }
0x68: {  	_ =	shalt  }
0x69: {  	_ =	shalt  }
0x6a: {  	_ =	shalt  }
0x6b: {  	_ =	shalt  }
0x6c: {  	_ =	shalt  }
0x6d: {  	_ =	shalt  }
0x6e: {  	_ =	shalt  }
0x6f: {  	_ =	shalt  }
0x70: {  	_ =	shalt  }
0x71: {  	_ =	shalt  }
0x72: {  	_ =	shalt  }
0x73: {  	_ =	shalt  }
0x74: {  	_ =	shalt  }
0x75: {  	_ =	shalt  }
0x76: {  	_ =	shalt  }
0x77: {  	_ =	shalt  }
0x78: {  	_ =	shalt  }
0x79: {  	_ =	shalt  }
0x7a: {  	_ =	shalt  }
0x7b: {  	_ =	shalt  }
0x7c: {  	_ =	shalt  }
0x7d: {  	_ =	shalt  }
0x7e: {  	_ =	shalt  }
0x7f: {  	_ =	shalt  }
0x80: {  	_ =	shalt  }
0x81: {  	_ =	shalt  }
0x82: {  	_ =	shalt  }
0x83: {  	_ =	shalt  }
0x84: {  	_ =	shalt  }
0x85: {  	_ =	shalt  }
0x86: {  	_ =	shalt  }
0x87: {  	_ =	shalt  }
.Lfunc_end0:
.L_simem_size_0:
called_computation.1_lowered:
.L_overlay_start_0:
0x88: {  	s2 =	sld [smem:$0x3FD9]  }
0x89: {  	s3 =	sld [smem:$0x3FFE];
	_ =	sdelay $0x1  }
0x8a: {  	s1 =	srdreg.scid  }
0x8b: {  	s0 =	sand.u32 $0x1, s1  }
0x8c: {  	s16 =	sshll.u32 s0, $0xA;
	s2 =	sadd.s32 s3, s2  }
0x8d: {  	s2 =	sadd.s32 s2, s16  }
0x8e: {  	[smem:$0x3FB7] =	sst s2  }
0x8f: {  	_ = 	snop  }
0x90: {  	(tm) =	ssettm $0x1  }
0x91: {  	s17 =	sld [smem:$0x3FFB];
	_ =	sdelay $0x3  }
0x92: {  	_ =	strace s17  }
0x93: {  	s2 =	sld [smem:$0x3FFC];
	_ =	sdelay $0x3  }
0x94: {  	_ =	strace s2  }
0x95: {  	s2 =	sld [smem:$0x3FFD];
	_ =	sdelay $0x3  }
0x96: {  	_ =	strace s2  }
0x97: {  	_ =	strace $0x8FFFFFFF  }
0x98: {  	s18 =	sld [smem:$0x3FDB];
	_ =	sdelay $0x1  }
0x99: {  	s19 =	simm.s32 $_scs_section_size  }
0x9a: {  	s4 =	simm.s32 $_size__tile_overlayer_lowered;
	s5 =	simm.s32 $_tile_overlayer_lowered  }
0x9b: {  	s22 =	simm.s32 $0x1BFF;
	s21 =	sshll.u32 s5, $0x1;
	s2 =	sadd.s32 s19, s18  }
0x9c: {  	s6 =	simm.s32 $0x0;
	s20 =	sshll.u32 s4, $0x1;
	s4 =	sadd.s32 s21, s2  }
0x9d: {  	[timem:s6], [sflag:s22] =	dma.local [hbm:s4], s20  }
0x9e: {  	_ =	swait.ge [sflag:s22], s20  }
0x9f: {  	s3 =	ssub.s32 $0x0, s20;
	[sflag:s22] =	ssyncset.done $0x0  }
0xa0: {  	[sflag:s22] =	ssyncadd.s32 s3;
	_ =	sdelay $0x1  }
0xa1: {  	s23 =	simm.s32 $0x1B8B  }
0xa2: {  	_ =	swait.ge [sflag:s23], $0x1  }
0xa3: {  	[sflag:s23] =	ssyncset.done $0x0  }
0xa4: {  	s25 =	simm.s32 $0x1B8E;
	s24 =	sld [smem:$0x3FFE];
	[sflag:s23] =	ssyncadd.s32 $0xFFFFFFFF  }
0xa5: {  	s26 =	simm.s32 $execute0_lowered;
	[smem:$0x3FD2] =	sst s25  }
0xa6: {  	s4 =	sshll.u32 s26, $0x1;
	_ =	strace $0x80000049;
	[dreg:$0x1] =	wrdreg $0xFFFFFFFF  }
0xa7: {  	s28 =	simm.s32 $_size_execute0_lowered;
	s2 =	sadd.s32 s2, s4;
	[dreg:$0x0] =	wrdreg $0x0  }
0xa8: {  	s4 =	sshll.u32 s28, $0x1;
	[dreg:$0x2] =	wrdreg s2  }
0xa9: {  	[dreg:$0x3] =	wrdreg s4  }
0xaa: {  	[dreg:$0x4] =	wrdreg $0xC0  }
0xab: {  	_ =	task [dreg:s6], $0x5FFFF  }
0xac: {  	[dreg:$0x1] =	wrdreg $0xFFFFFFFF  }
0xad: {  	[dreg:$0x0] =	wrdreg $0x60  }
0xae: {  	[dreg:$0x2] =	wrdreg s24  }
0xaf: {  	[dreg:$0x3] =	wrdreg $0x41000  }
0xb0: {  	[dreg:$0x4] =	wrdreg $0x9  }
0xb1: {  	_ =	task.clear_ibuf [dreg:s6], $0x5FFFF;
	_ =	strace $0x90000049  }
0xb2: {  	s29 =	simm.s32 $0x9;
	_ =	strace $0x8000004B  }
0xb3: {  	_ =	swait.ge [sflag:s29], $0x1  }
0xb4: {  	[sflag:s29] =	ssyncadd.s32 $0xFFFFFFFF  }
0xb5: {  	_ =	strace $0x9000004B  }
0xb6: {  	_ =	sfence  }
0xb7: {  	s30 =	sld [smem:$0x0];
	_ =	sdelay $0x2  }
0xb8: {  	s31 =	sshll.u32 s1, $0xD;
	s1 =	sshrl.u32 s1, $0x2  }
0xb9: {  	s3 =	sand.u32 $0x4000, s31;
	s1 =	sadd.s32 s1, s30  }
0xba: {  	s0 =	sor.u32 s3, s0;
	s1 =	sshll.u32 s1, $0x11  }
0xbb: {  	s0 =	sor.u32 s1, s0  }
0xbc: {  	s0 =	sadd.s32 $0x8F2B, s0  }
0xbd: {  	[sflag:s0] =	ssyncadd.remote.s32 $0x1  }
0xbe: {  	_ =	sfence.sel $0xFFFF  }
0xbf: {  	[dreg:$0x0] =	wrdreg $0xFFFFFFFF;
	(pc) =	sbr.abs _section_cstart, $3  }
0xc0: {  	[dreg:$0x1] =	wrdreg $0xFFFFFFFF  }
0xc1: {  	_ =	task.clear_ibuf [dreg:s6], $0x2FFFF;
	_ =	strace $0x9FFFFFFF  }
0xc2: {  	(tm) =	ssettm $0x7FFFFFFF  }
0xc3: {  	_ =	shalt  }
tec
execute0_lowered:
.L_overlay_start_1:
0x0: {  	(tag) =	ssettag $0x1  }
0x1: {  	s5 =	rddreg [dreg:$0x0]  }
0x2: {  	s0 =	srdreg.scid;
	s2 =	rddreg [dreg:$0x1]  }
0x3: {  	s1 =	rddreg [dreg:$0x2];
	s6 =	sand.u32 $0x1, s0  }
0x4: {  	s0 =	stileid.u32;
	s4 =	smul.u32 $0x27800, s6  }
0x5: {  	s3 =	simm.s32 $0x0;
	s13 =	simm.s32 $0x80;
	s7 =	smul.u32 $0x2780, s0  }
0x6: {  	s14 =	simm.s32 $0x100;
	[smem:$0x7FF] =	sst s3;
	s8 =	smul.u32 $0x14000, s0  }
0x7: {  	s15 =	simm.s32 $0x0;
	s9 =	smul.u32 $0x140000, s6;
	_ =	strace $0x8000004A  }
0x8: {  	s6 =	ssub.s32 $0x2, s6;
	s28 =	smul.u32 $0x50000, s0;
	s31 =	sshll.u32 s0, $0x6  }
0x9: {  	s29 =	sshrl.u32 s6, $0x1;
	s7 =	sadd.s32 s7, s4;
	s4 =	sadd.s32 $0x69200, s5  }
0xa: {  	s26 =	sshrl.u32 s8, $0x3;
	s8 =	sadd.s32 s8, s9;
	s11 =	ssub.s32 s6, s29  }
0xb: {  	s30 =	sshrl.u32 s28, $0x2;
	s6 =	sor.u32 $0x1C01, s31;
	s7 =	sshrl.u32 s7, $0x3  }
0xc: {  	s8 =	sshrl.u32 s8, $0x3;
	s10 =	sadd.s32 s7, s5;
	s7 =	sadd.s32 s26, s5  }
0xd: {  	s12 =	sadd.s32 s30, s2;
	s8 =	sadd.s32 s8, s5;
	s5 =	sadd.s32 $0x91200, s7  }
0xe: {  	s7 =	sadd.s32 $0xB9200, s8;
	s8 =	smax.u32 s11, $0x1;
	s9 =	sadd.s32 $0x4C00, s10  }
0xf: {  	s10 =	sadd.s32 $0xF400, s10;
	s11 =	sshrl.u32 s12, $0x3;
	s12 =	simm.s32 $0x1  }
.LBB2_1:
0x10: {  	[spmem:s11], [sflag:s6] =	dma.local [hbm:s5], $0x2800  }
0x11: {  	_ =	swait.ge [sflag:s12], $0x2800  }
0x12: {  	[sflag:s12] =	ssyncset.done $0x0  }
0x13: {  	[sflag:s12] =	ssyncadd.s32 $0xFFFFD800  }
0x14: {  	s16 =	sadd.s32 $0x0, s10;
	[bflag:$0x0] =	sbarrier.arrive $0xFFFF  }
0x15: {  	[tilespmem:s3], [sflag:$0x1] =	stream.linear.gather [hbm4b:s16+s3], $0x80, $0x38;
	[tilespmem:$0x18100] =	vst v63  }
0x16: {  	_ =	swait.ge [sflag:s12], $0x80  }
0x17: {  	[sflag:s12] =	ssyncset.done $0x0  }
0x18: {  	s31 =	sadd.s32 $0x0, s9;
	[sflag:s12] =	ssyncadd.s32 $0xFFFFFF80  }
0x19: {  	[tilespmem:s13], [sflag:$0x1] =	stream.linear.gather [hbm4b:s31+s3], $0x80, $0x38;
	[tilespmem:$0x18100] =	vst v63  }
0x1a: {  	_ =	swait.ge [sflag:s12], $0x80  }
0x1b: {  	[sflag:s12] =	ssyncset.done $0x0  }
0x1c: {  	[sflag:s12] =	ssyncadd.s32 $0xFFFFFF80  }
0x1d: {  	[tilespmem:s14], [sflag:$0x1] =	stream.indirect.gather [hbm4b:s4+s13], $0x80, s3, s13, $0xb8;
	[tilespmem:$0x18100] =	vst v63  }
0x1e: {  	_ =	swait.ge [sflag:s12], $0x4000  }
0x1f: {  	[sflag:s12] =	ssyncset.done $0x0  }
0x20: {  	[sflag:s12] =	ssyncadd.s32 $0xFFFFC000  }
0x21: {  	[spmem:s2] =	stream.indirect.scatter.add.f32 [tilespmem:s14], [sflag:$0x1], $0x80, s13, s13, $0xb8;
	[tilespmem:$0x18100] =	vst v63  }
0x22: {  	_ =	swait.ge [sflag:s12], $0x4000  }
0x23: {  	s17 =	simm.s32 $0x20;
	s16 =	simm.s32 $0x10;
	[sflag:s12] =	ssyncset.done $0x0  }
.LBB2_2:
0x24: {  	s18 =	sadd.s32 s16, s10  }
0x25: {  	[sflag:s12] =	ssyncadd.s32 $0xFFFFC000;
	s19 =	smov.u32 s17;
	s20 =	sadd.s32 $0x10, s17  }
0x26: {  	[tilespmem:s3], [sflag:$0x1] =	stream.linear.gather [hbm4b:s18+s3], $0x80, $0x38;
	[tilespmem:$0x18100] =	vst v63  }
0x27: {  	p0 =	sne.s32 s17, $0x4E0;
	_ =	swait.ge [sflag:s12], $0x80  }
0x28: {  	[sflag:s12] =	ssyncset.done $0x0  }
0x29: {  	s17 =	sadd.s32 s16, s9;
	s16 =	smov.u32 s19;
	[sflag:s12] =	ssyncadd.s32 $0xFFFFFF80  }
0x2a: {  	[tilespmem:s13], [sflag:$0x1] =	stream.linear.gather [hbm4b:s17+s3], $0x80, $0x38;
	[tilespmem:$0x18100] =	vst v63  }
0x2b: {  	_ =	swait.ge [sflag:s12], $0x80  }
0x2c: {  	[sflag:s12] =	ssyncset.done $0x0  }
0x2d: {  	[sflag:s12] =	ssyncadd.s32 $0xFFFFFF80  }
0x2e: {  	[tilespmem:s14], [sflag:$0x1] =	stream.indirect.gather [hbm4b:s4+s13], $0x80, s3, s13, $0xb8;
	[tilespmem:$0x18100] =	vst v63  }
0x2f: {  	_ =	swait.ge [sflag:s12], $0x4000  }
.Ltmp0:
0x30: {  	[sflag:s12] =	ssyncset.done $0x0;
	(pc) =	sbr.rel @p0 .LBB2_2-.Ltmp0, $4  }
0x31: {  	[sflag:s12] =	ssyncadd.s32 $0xFFFFC000  }
0x32: {  	[spmem:s2] =	stream.indirect.scatter.add.f32 [tilespmem:s14], [sflag:$0x1], $0x80, s13, s13, $0xb8;
	[tilespmem:$0x18100] =	vst v63  }
0x33: {  	_ =	swait.ge [sflag:s12], $0x4000  }
0x34: {  	s17 =	smov.u32 s20;
	[sflag:s12] =	ssyncset.done $0x0  }
0x35: {  	s17 =	sadd.s32 s16, s10;
	[sflag:s12] =	ssyncadd.s32 $0xFFFFC000  }
0x36: {  	[tilespmem:s3], [sflag:$0x1] =	stream.linear.gather [hbm4b:s17+s3], $0x80, $0x38;
	[tilespmem:$0x18100] =	vst v63  }
0x37: {  	_ =	swait.ge [sflag:s12], $0x80  }
0x38: {  	[sflag:s12] =	ssyncset.done $0x0  }
0x39: {  	s31 =	sadd.s32 s16, s9;
	[sflag:s12] =	ssyncadd.s32 $0xFFFFFF80  }
0x3a: {  	[tilespmem:s13], [sflag:$0x1] =	stream.linear.gather [hbm4b:s31+s3], $0x80, $0x38;
	[tilespmem:$0x18100] =	vst v63  }
0x3b: {  	_ =	swait.ge [sflag:s12], $0x80  }
0x3c: {  	[sflag:s12] =	ssyncset.done $0x0  }
0x3d: {  	[sflag:s12] =	ssyncadd.s32 $0xFFFFFF80  }
0x3e: {  	[tilespmem:s14], [sflag:$0x1] =	stream.indirect.gather [hbm4b:s4+s13], $0x80, s3, s13, $0xb8;
	[tilespmem:$0x18100] =	vst v63  }
0x3f: {  	_ =	swait.ge [sflag:s12], $0x4000  }
0x40: {  	[sflag:s12] =	ssyncset.done $0x0  }
0x41: {  	[sflag:s12] =	ssyncadd.s32 $0xFFFFC000  }
0x42: {  	[spmem:s2] =	stream.indirect.scatter.add.f32 [tilespmem:s14], [sflag:$0x1], $0x80, s13, s13, $0xb8;
	[tilespmem:$0x18100] =	vst v63  }
0x43: {  	_ =	swait.ge [sflag:s12], $0x4000  }
0x44: {  	s15 =	sadd.s32 $0x1, s15;
	[sflag:s12] =	ssyncset.done $0x0  }
0x45: {  	p0 =	sne.s32 s15, s8;
	[sflag:s12] =	ssyncadd.s32 $0xFFFFC000  }
.Ltmp1:
0x46: {  	[bflag:$0x0] =	sbarrier.arrive $0xFFFF;
	(pc) =	sbr.rel @p0 .LBB2_1-.Ltmp1, $4  }
0x47: {  	[hbm:s7], [sflag:s6] =	dma.local [spmem:s11], $0x2800  }
0x48: {  	_ =	swait.ge [sflag:s12], $0x2800  }
0x49: {  	[sflag:s12] =	ssyncset.done $0x0  }
0x4a: {  	[sflag:s12] =	ssyncadd.s32 $0xFFFFD800  }
0x4b: {  	_ =	sfence.sel $0x180000  }
0x4c: {  	[bflag:$0x0] =	sbarrier.arrive $0xFFFF  }
0x4d: {  	p0 =	sne.s32 s0, $0x0;
	_ =	strace $0x9000004A  }
0x4e: {  	s0 =	sadd.s32 @!p0 $0x100000, s1;
	[bflag:$0x2] =	sbarrier.arrive $0xFFFF  }
0x4f: {  	[sflag:s0] =	ssyncadd.tile.s32 @!p0 $0x1;
	_ =	shalt  }
.Lfunc_end2:
_tile_overlayer_lowered:
.L_overlay_start_2:
0x50: {  	(tag) =	ssettag $0x2  }
0x51: {  	s0 =	rddreg [dreg:$0x0];
	s2 =	stileid.u32  }
0x52: {  	s1 =	rddreg [dreg:$0x1];
	p0 =	sne.s32 s2, $0x0  }
0x53: {  	s3 =	rddreg [dreg:$0x2];
	[bflag:$0x3] =	sbarrier.arrive $0xFFFF;
	s2 =	simm.s32 @!p0 $0x1C01  }
0x54: {  	[timem:s3], [sflag:s2] =	dma.local @!p0 [hbm:s0], s1  }
0x55: {  	s0 =	simm.s32 @!p0 $0x1  }
0x56: {  	_ =	swait.ge @!p0 [sflag:s0], s1  }
0x57: {  	s1 =	ssub.s32 @!p0 $0x0, s1;
	[sflag:s0] =	ssyncset.done @!p0 $0x0  }
0x58: {  	[sflag:s0] =	ssyncadd.s32 @!p0 s1  }
0x59: {  	[bflag:$0x3] =	sbarrier.arrive $0xFFFF  }
0x5a: {  	_ =	shalt  }

// kernel: kernel.17.cloned.1.call-start
scs
__scs_entry_jumppad:
0x0: {  	(pc) =	sbr.rel $0x88, $3  }
0x1: {  	(tag) =	ssettag $0x0;
	lr =	simm.s32 $0x1  }
0x2: {  	[smem:$0x3F90] =	sst lr;
	_ =	strace $0xD0000000  }
0x3: {  	_ = 	snop  }
0x4: {  	_ = 	snop  }
0x5: {  	_ = 	snop  }
0x6: {  	_ = 	snop  }
0x7: {  	_ = 	snop  }
__scs_overlays_trampoline_lowered:
0x8: {  	[smem:$0x3F9F] =	sst s0  }
0x9: {  	[smem:$0x3FA0] =	sst s1  }
0xa: {  	[smem:$0x3FA1] =	sst s2  }
0xb: {  	[smem:$0x3FA2] =	sst s3  }
0xc: {  	[smem:$0x3FA3] =	sst s4  }
0xd: {  	[smem:$0x3FA4] =	sst s5  }
0xe: {  	[smem:$0x3FA5] =	sst s6  }
0xf: {  	[smem:$0x3FA6] =	sst s7  }
0x10: {  	[smem:$0x3FA7] =	sst s8  }
0x11: {  	[smem:$0x3FA8] =	sst s9;
	s0 =	simm.s32 @!p0 $0x0  }
0x12: {  	s1 =	sld [smem:$0x3F8E];
	s0 =	simm.s32 @p0 $0x1  }
0x13: {  	[smem:$0x3FA9] =	sst s0;
	s0 =	simm.s32 @!p1 $0x0  }
0x14: {  	s2 =	sld [smem:$0x3F8D];
	s0 =	simm.s32 @p1 $0x1  }
0x15: {  	[smem:$0x3FAA] =	sst s0;
	s0 =	simm.s32 @!p2 $0x0  }
0x16: {  	s3 =	sld [smem:$0x3FDB];
	s0 =	simm.s32 @p2 $0x1  }
0x17: {  	s4 =	simm.s32 $0x1BF5;
	[smem:$0x3FAC] =	sst s0  }
0x18: {  	s0 =	sld [smem:$0x3F8F];
	_ =	swait.ge [sflag:s4], $0x0  }
0x19: {  	s7 =	sld [smem:$0x3F90]  }
0x1a: {  	s8 =	sadd.s32 $0xFFFFE003, lr  }
0x1b: {  	s9 =	sadd.s32 $0xFFFFFEF7, lr;
	s5 =	simm.s32 $0xFFFFFFFF;
	p2 =	slt.u32 s8, $0xFFFFF086  }
0x1c: {  	p1 =	slt.u32 s9, $0xF7A;
	s5 =	simm.s32 @!p2 $0x0  }
0x1d: {  	s5 =	simm.s32 @p1 $0x1;
	p0 =	seq.s32 s7, s2  }
0x1e: {  	s7 =	smul.u32 @!p0 $0xF7A, s2;
	p2 =	seq.s32 @!p0 s5, $0x0  }
0x1f: {  	s9 =	smul.u32 $0xF7A, s1;
	s8 =	simm.s32 @!p0 $0x1BF5;
	p2 =	por !p2, p0  }
0x20: {  	[sflag:s8] =	ssyncset.s32 @!p0 $0xFFFFF086;
	s6 =	sadd.s32 @!p0 s3, s7;
	s7 =	simm.s32 @!p0 $0x108  }
0x21: {  	s3 =	sadd.s32 s3, s9;
	s6 =	sadd.s32 @!p0 $0x88, s6;
	s7 =	simm.s32 @p2 $0x1082  }
0x22: {  	[simem:s7], [sflag:s8] =	dma.local @!p0 [hbm:s6], $0xF7A  }
0x23: {  	s9 =	sor.u32 $0xD0000000, s2;
	s6 =	simm.s32 $0x108;
	_ =	swait.ge @!p0 [sflag:s8], $0x0  }
0x24: {  	s3 =	sadd.s32 $0x88, s3;
	s6 =	simm.s32 @!p1 $0x1082;
	[sflag:s4] =	ssyncset.s32 $0xFFFFF086  }
0x25: {  	[simem:s6], [sflag:s4] =	dma.local [hbm:s3], $0xF7A  }
0x26: {  	[smem:$0x3F90] =	sst s1;
	(tag) =	ssettag s2;
	_ =	strace s9  }
0x27: {  	s1 =	sld [smem:$0x3FA0]  }
0x28: {  	s2 =	sld [smem:$0x3FA1]  }
0x29: {  	s4 =	sld [smem:$0x3FA3]  }
0x2a: {  	p0 =	seq.s32 s5, $0x0;
	s5 =	sld [smem:$0x3FA4]  }
0x2b: {  	s6 =	sld [smem:$0x3FA5]  }
0x2c: {  	s7 =	sld [smem:$0x3FA6]  }
0x2d: {  	s3 =	simm.s32 $0x108;
	s8 =	sld [smem:$0x3FA7]  }
0x2e: {  	s3 =	simm.s32 @!p0 $0x1082;
	s9 =	sld [smem:$0x3FA8]  }
0x2f: {  	lr =	sadd.s32 s0, s3;
	s0 =	sld [smem:$0x3F9F]  }
0x30: {  	s3 =	sld [smem:$0x3FA2]  }
0x31: {  	[smem:$0x3FAB] =	sst s10  }
0x32: {  	s10 =	sld [smem:$0x3FA9];
	_ =	sdelay $0x3  }
0x33: {  	p0 =	seq.s32 s10, $0x1;
	s10 =	sld [smem:$0x3FAB];
	_ =	sdelay $0x3  }
0x34: {  	[smem:$0x3FAB] =	sst s10  }
0x35: {  	s10 =	sld [smem:$0x3FAA];
	_ =	sdelay $0x3  }
0x36: {  	p1 =	seq.s32 s10, $0x1;
	s10 =	sld [smem:$0x3FAB];
	_ =	sdelay $0x3  }
0x37: {  	[smem:$0x3FAB] =	sst s10  }
0x38: {  	s10 =	sld [smem:$0x3FAC]  }
0x39: {  	_ = 	snop;
	(pc) =	sbr.ind lr, $3  }
0x3a: {  	_ = 	snop  }
0x3b: {  	_ = 	snop  }
0x3c: {  	p2 =	seq.s32 s10, $0x1;
	s10 =	sld [smem:$0x3FAB]  }
0x3d: {  	_ =	shalt  }
0x3e: {  	_ =	shalt  }
0x3f: {  	_ =	shalt  }
0x40: {  	_ =	shalt  }
0x41: {  	_ =	shalt  }
0x42: {  	_ =	shalt  }
0x43: {  	_ =	shalt  }
0x44: {  	_ =	shalt  }
0x45: {  	_ =	shalt  }
0x46: {  	_ =	shalt  }
0x47: {  	_ =	shalt  }
0x48: {  	_ =	shalt  }
0x49: {  	_ =	shalt  }
0x4a: {  	_ =	shalt  }
0x4b: {  	_ =	shalt  }
0x4c: {  	_ =	shalt  }
0x4d: {  	_ =	shalt  }
0x4e: {  	_ =	shalt  }
0x4f: {  	_ =	shalt  }
0x50: {  	_ =	shalt  }
0x51: {  	_ =	shalt  }
0x52: {  	_ =	shalt  }
0x53: {  	_ =	shalt  }
0x54: {  	_ =	shalt  }
0x55: {  	_ =	shalt  }
0x56: {  	_ =	shalt  }
0x57: {  	_ =	shalt  }
0x58: {  	_ =	shalt  }
0x59: {  	_ =	shalt  }
0x5a: {  	_ =	shalt  }
0x5b: {  	_ =	shalt  }
0x5c: {  	_ =	shalt  }
0x5d: {  	_ =	shalt  }
0x5e: {  	_ =	shalt  }
0x5f: {  	_ =	shalt  }
0x60: {  	_ =	shalt  }
0x61: {  	_ =	shalt  }
0x62: {  	_ =	shalt  }
0x63: {  	_ =	shalt  }
0x64: {  	_ =	shalt  }
0x65: {  	_ =	shalt  }
0x66: {  	_ =	shalt  }
0x67: {  	_ =	shalt  }
0x68: {  	_ =	shalt  }
0x69: {  	_ =	shalt  }
0x6a: {  	_ =	shalt  }
0x6b: {  	_ =	shalt  }
0x6c: {  	_ =	shalt  }
0x6d: {  	_ =	shalt  }
0x6e: {  	_ =	shalt  }
0x6f: {  	_ =	shalt  }
0x70: {  	_ =	shalt  }
0x71: {  	_ =	shalt  }
0x72: {  	_ =	shalt  }
0x73: {  	_ =	shalt  }
0x74: {  	_ =	shalt  }
0x75: {  	_ =	shalt  }
0x76: {  	_ =	shalt  }
0x77: {  	_ =	shalt  }
0x78: {  	_ =	shalt  }
0x79: {  	_ =	shalt  }
0x7a: {  	_ =	shalt  }
0x7b: {  	_ =	shalt  }
0x7c: {  	_ =	shalt  }
0x7d: {  	_ =	shalt  }
0x7e: {  	_ =	shalt  }
0x7f: {  	_ =	shalt  }
0x80: {  	_ =	shalt  }
0x81: {  	_ =	shalt  }
0x82: {  	_ =	shalt  }
0x83: {  	_ =	shalt  }
0x84: {  	_ =	shalt  }
0x85: {  	_ =	shalt  }
0x86: {  	_ =	shalt  }
0x87: {  	_ =	shalt  }
.Lfunc_end0:
.L_simem_size_0:
called_computation.2_lowered:
.L_overlay_start_0:
0x88: {  	s2 =	sld [smem:$0x3FD9]  }
0x89: {  	s3 =	sld [smem:$0x3FFE];
	_ =	sdelay $0x1  }
0x8a: {  	s1 =	srdreg.scid  }
0x8b: {  	s0 =	sand.u32 $0x1, s1  }
0x8c: {  	s16 =	sshll.u32 s0, $0xA;
	s2 =	sadd.s32 s3, s2  }
0x8d: {  	s2 =	sadd.s32 s2, s16  }
0x8e: {  	[smem:$0x3FB7] =	sst s2  }
0x8f: {  	_ = 	snop  }
0x90: {  	(tm) =	ssettm $0x1  }
0x91: {  	s17 =	sld [smem:$0x3FFB];
	_ =	sdelay $0x3  }
0x92: {  	_ =	strace s17  }
0x93: {  	s2 =	sld [smem:$0x3FFC];
	_ =	sdelay $0x3  }
0x94: {  	_ =	strace s2  }
0x95: {  	s2 =	sld [smem:$0x3FFD];
	_ =	sdelay $0x3  }
0x96: {  	_ =	strace s2  }
0x97: {  	_ =	strace $0x8FFFFFFF  }
0x98: {  	s18 =	sld [smem:$0x3FDB];
	_ =	sdelay $0x1  }
0x99: {  	s19 =	simm.s32 $_scs_section_size  }
0x9a: {  	s4 =	simm.s32 $_size__tile_overlayer_lowered;
	s5 =	simm.s32 $_tile_overlayer_lowered  }
0x9b: {  	s22 =	simm.s32 $0x1BFF;
	s21 =	sshll.u32 s5, $0x1;
	s2 =	sadd.s32 s19, s18  }
0x9c: {  	s6 =	simm.s32 $0x0;
	s20 =	sshll.u32 s4, $0x1;
	s4 =	sadd.s32 s21, s2  }
0x9d: {  	[timem:s6], [sflag:s22] =	dma.local [hbm:s4], s20  }
0x9e: {  	_ =	swait.ge [sflag:s22], s20  }
0x9f: {  	s3 =	ssub.s32 $0x0, s20;
	[sflag:s22] =	ssyncset.done $0x0  }
0xa0: {  	[sflag:s22] =	ssyncadd.s32 s3;
	_ =	sdelay $0x1  }
0xa1: {  	s23 =	simm.s32 $0x1B8B  }
0xa2: {  	_ =	swait.ge [sflag:s23], $0x1  }
0xa3: {  	[sflag:s23] =	ssyncset.done $0x0  }
0xa4: {  	s25 =	simm.s32 $0x1B8E;
	s24 =	sld [smem:$0x3FFE];
	[sflag:s23] =	ssyncadd.s32 $0xFFFFFFFF  }
0xa5: {  	s26 =	simm.s32 $execute0_lowered;
	[smem:$0x3FD2] =	sst s25  }
0xa6: {  	s4 =	sshll.u32 s26, $0x1;
	_ =	strace $0x8000004C;
	[dreg:$0x1] =	wrdreg $0xFFFFFFFF  }
0xa7: {  	s28 =	simm.s32 $_size_execute0_lowered;
	s2 =	sadd.s32 s2, s4;
	[dreg:$0x0] =	wrdreg $0x0  }
0xa8: {  	s4 =	sshll.u32 s28, $0x1;
	[dreg:$0x2] =	wrdreg s2  }
0xa9: {  	[dreg:$0x3] =	wrdreg s4  }
0xaa: {  	[dreg:$0x4] =	wrdreg $0xC0  }
0xab: {  	_ =	task [dreg:s6], $0x5FFFF  }
0xac: {  	[dreg:$0x1] =	wrdreg $0xFFFFFFFF  }
0xad: {  	[dreg:$0x0] =	wrdreg $0x60  }
0xae: {  	[dreg:$0x2] =	wrdreg s24  }
0xaf: {  	[dreg:$0x3] =	wrdreg $0x41000  }
0xb0: {  	[dreg:$0x4] =	wrdreg $0x9  }
0xb1: {  	_ =	task.clear_ibuf [dreg:s6], $0x5FFFF;
	_ =	strace $0x9000004C  }
0xb2: {  	s29 =	simm.s32 $0x9;
	_ =	strace $0x8000004E  }
0xb3: {  	_ =	swait.ge [sflag:s29], $0x1  }
0xb4: {  	[sflag:s29] =	ssyncadd.s32 $0xFFFFFFFF  }
0xb5: {  	_ =	strace $0x9000004E  }
0xb6: {  	_ =	sfence  }
0xb7: {  	s30 =	sld [smem:$0x0];
	_ =	sdelay $0x2  }
0xb8: {  	s31 =	sshll.u32 s1, $0xD;
	s1 =	sshrl.u32 s1, $0x2  }
0xb9: {  	s3 =	sand.u32 $0x4000, s31;
	s1 =	sadd.s32 s1, s30  }
0xba: {  	s0 =	sor.u32 s3, s0;
	s1 =	sshll.u32 s1, $0x11  }
0xbb: {  	s0 =	sor.u32 s1, s0  }
0xbc: {  	s0 =	sadd.s32 $0x8F2B, s0  }
0xbd: {  	[sflag:s0] =	ssyncadd.remote.s32 $0x1  }
0xbe: {  	_ =	sfence.sel $0xFFFF  }
0xbf: {  	[dreg:$0x0] =	wrdreg $0xFFFFFFFF;
	(pc) =	sbr.abs _section_cstart, $3  }
0xc0: {  	[dreg:$0x1] =	wrdreg $0xFFFFFFFF  }
0xc1: {  	_ =	task.clear_ibuf [dreg:s6], $0x2FFFF;
	_ =	strace $0x9FFFFFFF  }
0xc2: {  	(tm) =	ssettm $0x7FFFFFFF  }
0xc3: {  	_ =	shalt  }
tec
execute0_lowered:
.L_overlay_start_1:
0x0: {  	(tag) =	ssettag $0x1  }
0x1: {  	s5 =	rddreg [dreg:$0x0]  }
0x2: {  	s0 =	srdreg.scid;
	s2 =	rddreg [dreg:$0x1]  }
0x3: {  	s1 =	rddreg [dreg:$0x2];
	s6 =	sand.u32 $0x1, s0  }
0x4: {  	s0 =	stileid.u32;
	s4 =	smul.u32 $0x27800, s6  }
0x5: {  	s3 =	simm.s32 $0x0;
	s13 =	simm.s32 $0x80;
	s7 =	smul.u32 $0x2780, s0  }
0x6: {  	s14 =	simm.s32 $0x100;
	[smem:$0x7FF] =	sst s3;
	s8 =	smul.u32 $0x14000, s0  }
0x7: {  	s15 =	simm.s32 $0x0;
	s9 =	smul.u32 $0x140000, s6;
	_ =	strace $0x8000004D  }
0x8: {  	s6 =	ssub.s32 $0x2, s6;
	s28 =	smul.u32 $0x50000, s0;
	s31 =	sshll.u32 s0, $0x6  }
0x9: {  	s29 =	sshrl.u32 s6, $0x1;
	s7 =	sadd.s32 s7, s4;
	s4 =	sadd.s32 $0x69200, s5  }
0xa: {  	s26 =	sshrl.u32 s8, $0x3;
	s8 =	sadd.s32 s8, s9;
	s11 =	ssub.s32 s6, s29  }
0xb: {  	s30 =	sshrl.u32 s28, $0x2;
	s6 =	sor.u32 $0x1C01, s31;
	s7 =	sshrl.u32 s7, $0x3  }
0xc: {  	s8 =	sshrl.u32 s8, $0x3;
	s10 =	sadd.s32 s7, s5;
	s7 =	sadd.s32 s26, s5  }
0xd: {  	s12 =	sadd.s32 s30, s2;
	s8 =	sadd.s32 s8, s5;
	s5 =	sadd.s32 $0x91200, s7  }
0xe: {  	s7 =	sadd.s32 $0xB9200, s8;
	s8 =	smax.u32 s11, $0x1;
	s9 =	sadd.s32 $0x4C00, s10  }
0xf: {  	s10 =	sadd.s32 $0xF400, s10;
	s11 =	sshrl.u32 s12, $0x3;
	s12 =	simm.s32 $0x1  }
.LBB2_1:
0x10: {  	[spmem:s11], [sflag:s6] =	dma.local [hbm:s5], $0x2800  }
0x11: {  	_ =	swait.ge [sflag:s12], $0x2800  }
0x12: {  	[sflag:s12] =	ssyncset.done $0x0  }
0x13: {  	[sflag:s12] =	ssyncadd.s32 $0xFFFFD800  }
0x14: {  	s16 =	sadd.s32 $0x0, s10;
	[bflag:$0x0] =	sbarrier.arrive $0xFFFF  }
0x15: {  	[tilespmem:s3], [sflag:$0x1] =	stream.linear.gather [hbm4b:s16+s3], $0x80, $0x38;
	[tilespmem:$0x18100] =	vst v63  }
0x16: {  	_ =	swait.ge [sflag:s12], $0x80  }
0x17: {  	[sflag:s12] =	ssyncset.done $0x0  }
0x18: {  	s31 =	sadd.s32 $0x0, s9;
	[sflag:s12] =	ssyncadd.s32 $0xFFFFFF80  }
0x19: {  	[tilespmem:s13], [sflag:$0x1] =	stream.linear.gather [hbm4b:s31+s3], $0x80, $0x38;
	[tilespmem:$0x18100] =	vst v63  }
0x1a: {  	_ =	swait.ge [sflag:s12], $0x80  }
0x1b: {  	[sflag:s12] =	ssyncset.done $0x0  }
0x1c: {  	[sflag:s12] =	ssyncadd.s32 $0xFFFFFF80  }
0x1d: {  	[tilespmem:s14], [sflag:$0x1] =	stream.indirect.gather [hbm4b:s4+s13], $0x80, s3, s13, $0xb8;
	[tilespmem:$0x18100] =	vst v63  }
0x1e: {  	_ =	swait.ge [sflag:s12], $0x4000  }
0x1f: {  	[sflag:s12] =	ssyncset.done $0x0  }
0x20: {  	[sflag:s12] =	ssyncadd.s32 $0xFFFFC000  }
0x21: {  	[spmem:s2] =	stream.indirect.scatter.add.f32 [tilespmem:s14], [sflag:$0x1], $0x80, s13, s13, $0xb8;
	[tilespmem:$0x18100] =	vst v63  }
0x22: {  	_ =	swait.ge [sflag:s12], $0x4000  }
0x23: {  	s17 =	simm.s32 $0x20;
	s16 =	simm.s32 $0x10;
	[sflag:s12] =	ssyncset.done $0x0  }
.LBB2_2:
0x24: {  	s18 =	sadd.s32 s16, s10  }
0x25: {  	[sflag:s12] =	ssyncadd.s32 $0xFFFFC000;
	s19 =	smov.u32 s17;
	s20 =	sadd.s32 $0x10, s17  }
0x26: {  	[tilespmem:s3], [sflag:$0x1] =	stream.linear.gather [hbm4b:s18+s3], $0x80, $0x38;
	[tilespmem:$0x18100] =	vst v63  }
0x27: {  	p0 =	sne.s32 s17, $0x4E0;
	_ =	swait.ge [sflag:s12], $0x80  }
0x28: {  	[sflag:s12] =	ssyncset.done $0x0  }
0x29: {  	s17 =	sadd.s32 s16, s9;
	s16 =	smov.u32 s19;
	[sflag:s12] =	ssyncadd.s32 $0xFFFFFF80  }
0x2a: {  	[tilespmem:s13], [sflag:$0x1] =	stream.linear.gather [hbm4b:s17+s3], $0x80, $0x38;
	[tilespmem:$0x18100] =	vst v63  }
0x2b: {  	_ =	swait.ge [sflag:s12], $0x80  }
0x2c: {  	[sflag:s12] =	ssyncset.done $0x0  }
0x2d: {  	[sflag:s12] =	ssyncadd.s32 $0xFFFFFF80  }
0x2e: {  	[tilespmem:s14], [sflag:$0x1] =	stream.indirect.gather [hbm4b:s4+s13], $0x80, s3, s13, $0xb8;
	[tilespmem:$0x18100] =	vst v63  }
0x2f: {  	_ =	swait.ge [sflag:s12], $0x4000  }
.Ltmp0:
0x30: {  	[sflag:s12] =	ssyncset.done $0x0;
	(pc) =	sbr.rel @p0 .LBB2_2-.Ltmp0, $4  }
0x31: {  	[sflag:s12] =	ssyncadd.s32 $0xFFFFC000  }
0x32: {  	[spmem:s2] =	stream.indirect.scatter.add.f32 [tilespmem:s14], [sflag:$0x1], $0x80, s13, s13, $0xb8;
	[tilespmem:$0x18100] =	vst v63  }
0x33: {  	_ =	swait.ge [sflag:s12], $0x4000  }
0x34: {  	s17 =	smov.u32 s20;
	[sflag:s12] =	ssyncset.done $0x0  }
0x35: {  	s17 =	sadd.s32 s16, s10;
	[sflag:s12] =	ssyncadd.s32 $0xFFFFC000  }
0x36: {  	[tilespmem:s3], [sflag:$0x1] =	stream.linear.gather [hbm4b:s17+s3], $0x80, $0x38;
	[tilespmem:$0x18100] =	vst v63  }
0x37: {  	_ =	swait.ge [sflag:s12], $0x80  }
0x38: {  	[sflag:s12] =	ssyncset.done $0x0  }
0x39: {  	s31 =	sadd.s32 s16, s9;
	[sflag:s12] =	ssyncadd.s32 $0xFFFFFF80  }
0x3a: {  	[tilespmem:s13], [sflag:$0x1] =	stream.linear.gather [hbm4b:s31+s3], $0x80, $0x38;
	[tilespmem:$0x18100] =	vst v63  }
0x3b: {  	_ =	swait.ge [sflag:s12], $0x80  }
0x3c: {  	[sflag:s12] =	ssyncset.done $0x0  }
0x3d: {  	[sflag:s12] =	ssyncadd.s32 $0xFFFFFF80  }
0x3e: {  	[tilespmem:s14], [sflag:$0x1] =	stream.indirect.gather [hbm4b:s4+s13], $0x80, s3, s13, $0xb8;
	[tilespmem:$0x18100] =	vst v63  }
0x3f: {  	_ =	swait.ge [sflag:s12], $0x4000  }
0x40: {  	[sflag:s12] =	ssyncset.done $0x0  }
0x41: {  	[sflag:s12] =	ssyncadd.s32 $0xFFFFC000  }
0x42: {  	[spmem:s2] =	stream.indirect.scatter.add.f32 [tilespmem:s14], [sflag:$0x1], $0x80, s13, s13, $0xb8;
	[tilespmem:$0x18100] =	vst v63  }
0x43: {  	_ =	swait.ge [sflag:s12], $0x4000  }
0x44: {  	s15 =	sadd.s32 $0x1, s15;
	[sflag:s12] =	ssyncset.done $0x0  }
0x45: {  	p0 =	sne.s32 s15, s8;
	[sflag:s12] =	ssyncadd.s32 $0xFFFFC000  }
.Ltmp1:
0x46: {  	[bflag:$0x0] =	sbarrier.arrive $0xFFFF;
	(pc) =	sbr.rel @p0 .LBB2_1-.Ltmp1, $4  }
0x47: {  	[hbm:s7], [sflag:s6] =	dma.local [spmem:s11], $0x2800  }
0x48: {  	_ =	swait.ge [sflag:s12], $0x2800  }
0x49: {  	[sflag:s12] =	ssyncset.done $0x0  }
0x4a: {  	[sflag:s12] =	ssyncadd.s32 $0xFFFFD800  }
0x4b: {  	_ =	sfence.sel $0x180000  }
0x4c: {  	[bflag:$0x0] =	sbarrier.arrive $0xFFFF  }
0x4d: {  	p0 =	sne.s32 s0, $0x0;
	_ =	strace $0x9000004D  }
0x4e: {  	s0 =	sadd.s32 @!p0 $0x100000, s1;
	[bflag:$0x2] =	sbarrier.arrive $0xFFFF  }
0x4f: {  	[sflag:s0] =	ssyncadd.tile.s32 @!p0 $0x1;
	_ =	shalt  }
.Lfunc_end2:
_tile_overlayer_lowered:
.L_overlay_start_2:
0x50: {  	(tag) =	ssettag $0x2  }
0x51: {  	s0 =	rddreg [dreg:$0x0];
	s2 =	stileid.u32  }
0x52: {  	s1 =	rddreg [dreg:$0x1];
	p0 =	sne.s32 s2, $0x0  }
0x53: {  	s3 =	rddreg [dreg:$0x2];
	[bflag:$0x3] =	sbarrier.arrive $0xFFFF;
	s2 =	simm.s32 @!p0 $0x1C01  }
0x54: {  	[timem:s3], [sflag:s2] =	dma.local @!p0 [hbm:s0], s1  }
0x55: {  	s0 =	simm.s32 @!p0 $0x1  }
0x56: {  	_ =	swait.ge @!p0 [sflag:s0], s1  }
0x57: {  	s1 =	ssub.s32 @!p0 $0x0, s1;
	[sflag:s0] =	ssyncset.done @!p0 $0x0  }
0x58: {  	[sflag:s0] =	ssyncadd.s32 @!p0 s1  }
0x59: {  	[bflag:$0x3] =	sbarrier.arrive $0xFFFF  }
0x5a: {  	_ =	shalt  }

</sc_bundles>
